<compile_context>
chip_gen: v7x
topology: tpu7x:2x2x1
jax: 0.10.2.dev20260603
libtpu: 0.0.44.dev20260713+nightly
codegen_flags: <defaults>
</compile_context>

<pallas_src>
import functools

import jax
import jax.numpy as jnp
from jax import lax
from jax.experimental import pallas as pl
from jax.experimental.pallas import tpu as pltpu
from jax.experimental.pallas import tpu_sc as plsc

NC = 2
NS = 16
CH = 128
NPH = 2


def _sc_partials(feat, src_r, dst_r, zeros, n_pad, nch):
    n, d = feat.shape
    zrows = n_pad // NS
    pch = nch // NPH
    mesh = plsc.VectorSubcoreMesh(core_axis_name="c", subcore_axis_name="s")

    @functools.partial(
        pl.kernel,
        out_type=jax.ShapeDtypeStruct((NC, n_pad, d), jnp.float32),
        mesh=mesh,
        scratch_types=[
            pltpu.VMEM((pch, CH), jnp.int32),
            pltpu.VMEM((pch, CH), jnp.int32),
            pltpu.VMEM((2, CH, d), jnp.float32),
            pltpu.VMEM_SHARED((n_pad, d), jnp.float32),
            pltpu.SemaphoreType.DMA,
            pltpu.SemaphoreType.DMA,
        ],
    )
    def run(feat_hbm, src_hbm, dst_hbm, zero_hbm, out_hbm,
            isrc, idst, rows, agg, sem0, sem1):
        c = lax.axis_index("c")
        s = lax.axis_index("s")
        w = c * NS + s
        sems = (sem0, sem1)

        pltpu.sync_copy(zero_hbm, agg.at[pl.ds(s * zrows, zrows)])
        plsc.subcore_barrier()

        for ph in range(NPH):
            pltpu.sync_copy(src_hbm.at[w, pl.ds(ph * pch, pch)], isrc)
            pltpu.sync_copy(dst_hbm.at[w, pl.ds(ph * pch, pch)], idst)

            for b in range(2):
                pltpu.async_copy(
                    feat_hbm.at[isrc.at[b]], rows.at[b], sems[b])

            def body(jj, carry):
                for b in range(2):
                    j = jj * 2 + b
                    pltpu.make_async_copy(
                        feat_hbm.at[isrc.at[j]], rows.at[b],
                        sems[b]).wait()
                    pltpu.sync_copy(
                        rows.at[b], agg.at[idst.at[j]], add=True)
                    nxt = j + 2

                    @pl.when(nxt < pch)
                    def _():
                        pltpu.async_copy(
                            feat_hbm.at[isrc.at[nxt]], rows.at[b],
                            sems[b])
                return carry

            lax.fori_loop(0, pch // 2, body, 0)

        plsc.subcore_barrier()
        pltpu.sync_copy(agg.at[pl.ds(s * zrows, zrows)],
                        out_hbm.at[c, pl.ds(s * zrows, zrows)])

    return run(feat, src_r, dst_r, zeros)


def _tc_mlp(x, parts, wa_t, ba, g, be, wb_t, bb, final):
    n, d = x.shape

    def body(x_ref, p_ref, wa_ref, ba_ref, g_ref, be_ref, wb_ref, bb_ref,
             o_ref):
        h = x_ref[...] + p_ref[0, :n] + p_ref[1, :n]
        z = jnp.dot(h, wa_ref[...], preferred_element_type=jnp.float32)
        z = z + ba_ref[...]
        mean = jnp.mean(z, axis=0, keepdims=True)
        var = jnp.mean(jnp.square(z - mean), axis=0, keepdims=True)
        zn = (z - mean) / jnp.sqrt(var + 1e-5) * g_ref[...] + be_ref[...]
        zn = jnp.maximum(zn, 0.0)
        out = jnp.dot(zn, wb_ref[...], preferred_element_type=jnp.float32)
        out = out + bb_ref[...]
        if final:
            m = jnp.max(out, axis=-1, keepdims=True)
            e = out - m
            out = e - jnp.log(jnp.sum(jnp.exp(e), axis=-1, keepdims=True))
        else:
            out = jnp.maximum(out, 0.0)
        o_ref[...] = out

    return pl.pallas_call(
        body,
        out_shape=jax.ShapeDtypeStruct((n, d), jnp.float32),
    )(x, parts, wa_t, ba, g, be, wb_t, bb)


def kernel(x, edge_index, W1a, b1a, g1, be1, W1b, b1b,
           W2a, b2a, g2, be2, W2b, b2b):
    n, d = x.shape
    e = edge_index.shape[1]
    nw = NC * NS
    assert n % NS == 0

    zrows = -(-(n + 1) // NS)
    zrows = -(-zrows // 8) * 8
    n_pad = zrows * NS
    sink = n

    nch = -(-(-(-e // (nw * CH))) // (2 * NPH)) * (2 * NPH)
    e_pad = nw * nch * CH
    pad = e_pad - e

    src = edge_index[0].astype(jnp.int32)
    dst = edge_index[1].astype(jnp.int32)
    src_r = jnp.concatenate(
        [src, jnp.zeros((pad,), jnp.int32)]).reshape(nw, nch, CH)
    dst_r = jnp.concatenate(
        [dst, jnp.full((pad,), sink, jnp.int32)]).reshape(nw, nch, CH)
    zeros = jnp.zeros((zrows, d), jnp.float32)

    def prep(wa, ba_, gg, bee, wb, bb_):
        return (wa.T, ba_.reshape(1, -1), gg.reshape(1, -1),
                bee.reshape(1, -1), wb.T, bb_.reshape(1, -1))

    p1 = _sc_partials(x, src_r, dst_r, zeros, n_pad, nch)
    t1 = _tc_mlp(x, p1, *prep(W1a, b1a, g1, be1, W1b, b1b), final=False)
    p2 = _sc_partials(t1, src_r, dst_r, zeros, n_pad, nch)
    return _tc_mlp(t1, p2, *prep(W2a, b2a, g2, be2, W2b, b2b), final=True)

# --- scband reference (transcript-rebuilt; emitter-appended) ---
"""Pipeline reference for scband-gin-20469814133291 (READ-ONLY COPY).

The authoritative reference and input builder live on the scoring server;
editing this copy changes nothing except your own understanding.
"""

import jax, jax.numpy as jnp
import numpy as np

N = 10000
E = 320000
D_IN = 128
D_HID = 128
D_OUT = 128


def setup_inputs(seed: int = 0) -> dict:
    key = jax.random.key(seed)
    ks = jax.random.split(key, 16)
    x = jax.random.normal(ks[0], (N, D_IN), dtype=jnp.float32)
    edge_index = jax.random.randint(ks[1], (2, E), 0, N, dtype=jnp.int64)
    s = 0.05
    return {
        "x": x,
        "edge_index": edge_index,
        # conv1 MLP: Linear(D_IN->D_HID), BatchNorm1d(D_HID), ReLU, Linear(D_HID->D_HID)
        "W1a": jax.random.normal(ks[2], (D_HID, D_IN), dtype=jnp.float32) * s,
        "b1a": jnp.zeros((D_HID,), dtype=jnp.float32),
        "g1": jnp.ones((D_HID,), dtype=jnp.float32),
        "be1": jnp.zeros((D_HID,), dtype=jnp.float32),
        "W1b": jax.random.normal(ks[3], (D_HID, D_HID), dtype=jnp.float32) * s,
        "b1b": jnp.zeros((D_HID,), dtype=jnp.float32),
        # conv2 MLP: Linear(D_HID->D_OUT), BatchNorm1d(D_OUT), ReLU, Linear(D_OUT->D_OUT)
        "W2a": jax.random.normal(ks[4], (D_OUT, D_HID), dtype=jnp.float32) * s,
        "b2a": jnp.zeros((D_OUT,), dtype=jnp.float32),
        "g2": jnp.ones((D_OUT,), dtype=jnp.float32),
        "be2": jnp.zeros((D_OUT,), dtype=jnp.float32),
        "W2b": jax.random.normal(ks[5], (D_OUT, D_OUT), dtype=jnp.float32) * s,
        "b2b": jnp.zeros((D_OUT,), dtype=jnp.float32),
    }


def _mlp(h, Wa, ba, g, be, Wb, bb):
    h = h @ Wa.T + ba
    mean = jnp.mean(h, axis=0)
    var = jnp.var(h, axis=0)
    h = (h - mean) / jnp.sqrt(var + 1e-5) * g + be
    h = jax.nn.relu(h)
    h = h @ Wb.T + bb
    return h


def _gin_conv(x, edge_index, Wa, ba, g, be, Wb, bb):
    src = edge_index[0]
    dst = edge_index[1]
    # sum-aggregate neighbor features at destination nodes (scatter-add)
    agg = jax.ops.segment_sum(x[src], dst, num_segments=x.shape[0])
    # GINConv with eps=0: (1 + eps) * x + agg
    h = x + agg
    return _mlp(h, Wa, ba, g, be, Wb, bb)


def reference(x, edge_index, W1a, b1a, g1, be1, W1b, b1b, W2a, b2a, g2, be2, W2b, b2b):
    h = _gin_conv(x, edge_index, W1a, b1a, g1, be1, W1b, b1b)
    h = jax.nn.relu(h)
    # dropout p=0.0 is identity
    h = _gin_conv(h, edge_index, W2a, b2a, g2, be2, W2b, b2b)
    return jax.nn.log_softmax(h, axis=-1)

if __name__ == "__main__":
    import jax
    _d = setup_inputs()
    print(jax.jit(kernel)(*tuple(_d.values())))

</pallas_src>

<mosaic_0001>
#map = affine_map<(d0, d1) -> (0, 0)>
#map1 = affine_map<(d0, d1) -> (0, 0, 0)>
module attributes {stable_mosaic.version = 14 : i64} {
  func.func @run(%arg0: i32, %arg1: i32, %arg2: memref<10000x128xf32, #tpu.memory_space<hbm>>, %arg3: memref<32x80x128xi32, #tpu.memory_space<hbm>>, %arg4: memref<32x80x128xi32, #tpu.memory_space<hbm>>, %arg5: memref<632x128xf32, #tpu.memory_space<hbm>>, %arg6: memref<2x10112x128xf32, #tpu.memory_space<hbm>>, %arg7: memref<40x128xi32, #tpu.memory_space<vmem>>, %arg8: memref<40x128xi32, #tpu.memory_space<vmem>>, %arg9: memref<2x128x128xf32, #tpu.memory_space<vmem>>, %arg10: memref<10112x128xf32, #tpu.memory_space<vmem_shared>>, %arg11: memref<!tpu.dma_semaphore, #tpu.memory_space<semaphore_mem>>, %arg12: memref<!tpu.dma_semaphore, #tpu.memory_space<semaphore_mem>>) attributes {dimension_semantics = [#tpu.dimension_semantics<core_parallel>, #tpu.dimension_semantics<subcore_parallel>], iteration_bounds = array<i64: 2, 16>, scalar_prefetch = 0 : i64, scratch_operands = 6 : i64, tpu.core_type = #tpu.core_type<sc_vector_subcore>, window_params = [{transform_indices = #map}, {transform_indices = #map1}, {transform_indices = #map1}, {transform_indices = #map}, {transform_indices = #map1}]} {
    %mul3A = arith.constant 16 : i32
    %mul3A_0 = arith.muli %arg0, %mul3A : i32
    %add3A = arith.addi %mul3A_0, %arg1 : i32
    %mul3A_1 = arith.constant 632 : i32
    %mul3A_2 = arith.muli %arg1, %mul3A_1 : i32
    "tpu.region"() ({
      %run_scoped3A = tpu.sem_alloc : memref<!tpu.dma_semaphore, #tpu.memory_space<semaphore_mem>>
      %dma_start3A_66 = arith.constant 0 : i32
      %dma_start3A_67 = tpu.memref_slice %arg10[%mul3A_2, %dma_start3A_66] : memref<10112x128xf32, #tpu.memory_space<vmem_shared>> -> memref<632x128xf32, #tpu.memory_space<vmem_shared>>
      tpu.enqueue_dma source(%arg5 : memref<632x128xf32, #tpu.memory_space<hbm>>) target(%dma_start3A_67 : memref<632x128xf32, #tpu.memory_space<vmem_shared>>) target_semaphore(%run_scoped3A : memref<!tpu.dma_semaphore, #tpu.memory_space<semaphore_mem>>)
      %dma_wait3A = arith.constant 0 : i32
      %dma_wait3A_68 = tpu.memref_slice %arg10[%mul3A_2, %dma_wait3A] : memref<10112x128xf32, #tpu.memory_space<vmem_shared>> -> memref<632x128xf32, #tpu.memory_space<vmem_shared>>
      tpu.wait_dma2 semaphore(%run_scoped3A : memref<!tpu.dma_semaphore, #tpu.memory_space<semaphore_mem>>) src(%arg5 : memref<632x128xf32, #tpu.memory_space<hbm>>) dst(%dma_wait3A_68 : memref<632x128xf32, #tpu.memory_space<vmem_shared>>)
      tpu.yield
    }) : () -> ()
    %barrier3A = arith.constant 0 : index
    tpu.barrier barrier_id(%barrier3A)
    "tpu.region"() ({
      %run_scoped3A = tpu.sem_alloc : memref<!tpu.dma_semaphore, #tpu.memory_space<semaphore_mem>>
      %dma_start3A_66 = arith.constant 0 : i32
      %dma_start3A_67 = arith.constant 0 : i32
      %dma_start3A_68 = tpu.memref_slice %arg3[%add3A, %dma_start3A_66, %dma_start3A_67] : memref<32x80x128xi32, #tpu.memory_space<hbm>> -> memref<1x40x128xi32, #tpu.memory_space<hbm>>
      %dma_start3A_69 = tpu.memref_squeeze %dma_start3A_68 : memref<1x40x128xi32, #tpu.memory_space<hbm>> -> memref<40x128xi32, #tpu.memory_space<hbm>>
      %dma_start3A_70 = arith.constant 0 : i32
      %dma_start3A_71 = arith.constant 0 : i32
      %dma_start3A_72 = tpu.memref_slice %arg3[%add3A, %dma_start3A_70, %dma_start3A_71] : memref<32x80x128xi32, #tpu.memory_space<hbm>> -> memref<1x40x128xi32, #tpu.memory_space<hbm>>
      %dma_start3A_73 = tpu.memref_squeeze %dma_start3A_72 : memref<1x40x128xi32, #tpu.memory_space<hbm>> -> memref<40x128xi32, #tpu.memory_space<hbm>>
      tpu.enqueue_dma source(%dma_start3A_73 : memref<40x128xi32, #tpu.memory_space<hbm>>) target(%arg7 : memref<40x128xi32, #tpu.memory_space<vmem>>) target_semaphore(%run_scoped3A : memref<!tpu.dma_semaphore, #tpu.memory_space<semaphore_mem>>)
      %dma_wait3A = arith.constant 0 : i32
      %dma_wait3A_74 = arith.constant 0 : i32
      %dma_wait3A_75 = tpu.memref_slice %arg3[%add3A, %dma_wait3A, %dma_wait3A_74] : memref<32x80x128xi32, #tpu.memory_space<hbm>> -> memref<1x40x128xi32, #tpu.memory_space<hbm>>
      %dma_wait3A_76 = tpu.memref_squeeze %dma_wait3A_75 : memref<1x40x128xi32, #tpu.memory_space<hbm>> -> memref<40x128xi32, #tpu.memory_space<hbm>>
      %dma_wait3A_77 = arith.constant 0 : i32
      %dma_wait3A_78 = arith.constant 0 : i32
      %dma_wait3A_79 = tpu.memref_slice %arg3[%add3A, %dma_wait3A_77, %dma_wait3A_78] : memref<32x80x128xi32, #tpu.memory_space<hbm>> -> memref<1x40x128xi32, #tpu.memory_space<hbm>>
      %dma_wait3A_80 = tpu.memref_squeeze %dma_wait3A_79 : memref<1x40x128xi32, #tpu.memory_space<hbm>> -> memref<40x128xi32, #tpu.memory_space<hbm>>
      tpu.wait_dma2 semaphore(%run_scoped3A : memref<!tpu.dma_semaphore, #tpu.memory_space<semaphore_mem>>) src(%dma_wait3A_80 : memref<40x128xi32, #tpu.memory_space<hbm>>) dst(%arg7 : memref<40x128xi32, #tpu.memory_space<vmem>>)
      tpu.yield
    }) : () -> ()
    "tpu.region"() ({
      %run_scoped3A = tpu.sem_alloc : memref<!tpu.dma_semaphore, #tpu.memory_space<semaphore_mem>>
      %dma_start3A_66 = arith.constant 0 : i32
      %dma_start3A_67 = arith.constant 0 : i32
      %dma_start3A_68 = tpu.memref_slice %arg4[%add3A, %dma_start3A_66, %dma_start3A_67] : memref<32x80x128xi32, #tpu.memory_space<hbm>> -> memref<1x40x128xi32, #tpu.memory_space<hbm>>
      %dma_start3A_69 = tpu.memref_squeeze %dma_start3A_68 : memref<1x40x128xi32, #tpu.memory_space<hbm>> -> memref<40x128xi32, #tpu.memory_space<hbm>>
      %dma_start3A_70 = arith.constant 0 : i32
      %dma_start3A_71 = arith.constant 0 : i32
      %dma_start3A_72 = tpu.memref_slice %arg4[%add3A, %dma_start3A_70, %dma_start3A_71] : memref<32x80x128xi32, #tpu.memory_space<hbm>> -> memref<1x40x128xi32, #tpu.memory_space<hbm>>
      %dma_start3A_73 = tpu.memref_squeeze %dma_start3A_72 : memref<1x40x128xi32, #tpu.memory_space<hbm>> -> memref<40x128xi32, #tpu.memory_space<hbm>>
      tpu.enqueue_dma source(%dma_start3A_73 : memref<40x128xi32, #tpu.memory_space<hbm>>) target(%arg8 : memref<40x128xi32, #tpu.memory_space<vmem>>) target_semaphore(%run_scoped3A : memref<!tpu.dma_semaphore, #tpu.memory_space<semaphore_mem>>)
      %dma_wait3A = arith.constant 0 : i32
      %dma_wait3A_74 = arith.constant 0 : i32
      %dma_wait3A_75 = tpu.memref_slice %arg4[%add3A, %dma_wait3A, %dma_wait3A_74] : memref<32x80x128xi32, #tpu.memory_space<hbm>> -> memref<1x40x128xi32, #tpu.memory_space<hbm>>
      %dma_wait3A_76 = tpu.memref_squeeze %dma_wait3A_75 : memref<1x40x128xi32, #tpu.memory_space<hbm>> -> memref<40x128xi32, #tpu.memory_space<hbm>>
      %dma_wait3A_77 = arith.constant 0 : i32
      %dma_wait3A_78 = arith.constant 0 : i32
      %dma_wait3A_79 = tpu.memref_slice %arg4[%add3A, %dma_wait3A_77, %dma_wait3A_78] : memref<32x80x128xi32, #tpu.memory_space<hbm>> -> memref<1x40x128xi32, #tpu.memory_space<hbm>>
      %dma_wait3A_80 = tpu.memref_squeeze %dma_wait3A_79 : memref<1x40x128xi32, #tpu.memory_space<hbm>> -> memref<40x128xi32, #tpu.memory_space<hbm>>
      tpu.wait_dma2 semaphore(%run_scoped3A : memref<!tpu.dma_semaphore, #tpu.memory_space<semaphore_mem>>) src(%dma_wait3A_80 : memref<40x128xi32, #tpu.memory_space<hbm>>) dst(%arg8 : memref<40x128xi32, #tpu.memory_space<vmem>>)
      tpu.yield
    }) : () -> ()
    %dma_start3A = arith.constant 0 : i32
    %dma_start3A_3 = arith.constant 0 : i32
    %dma_start3A_4 = arith.constant 0 : i32
    %dma_start3A_5 = arith.constant 0 : i32
    %dma_start3A_6 = tpu.memref_slice %arg9[%dma_start3A_3, %dma_start3A_4, %dma_start3A_5] : memref<2x128x128xf32, #tpu.memory_space<vmem>> -> memref<1x128x128xf32, #tpu.memory_space<vmem>>
    %dma_start3A_7 = tpu.memref_squeeze %dma_start3A_6 : memref<1x128x128xf32, #tpu.memory_space<vmem>> -> memref<128x128xf32, #tpu.memory_space<vmem>>
    %dma_start3A_8 = arith.constant 0 : i32
    %dma_start3A_9 = tpu.memref_slice %arg7[%dma_start3A, %dma_start3A_8] : memref<40x128xi32, #tpu.memory_space<vmem>> -> memref<1x128xi32, #tpu.memory_space<vmem>>
    %dma_start3A_10 = tpu.memref_squeeze %dma_start3A_9 : memref<1x128xi32, #tpu.memory_space<vmem>> -> memref<128xi32, #tpu.memory_space<vmem>>
    %dma_start3A_11 = arith.constant 0 : i32
    %dma_start3A_12 = arith.constant 0 : i32
    %dma_start3A_13 = tpu.memref_slice %arg2[%dma_start3A_11, %dma_start3A_12] : memref<10000x128xf32, #tpu.memory_space<hbm>> -> memref<10000x128xf32, #tpu.memory_space<hbm>>
    tpu.enqueue_indirect_dma source(%dma_start3A_13 : memref<10000x128xf32, #tpu.memory_space<hbm>>) target(%dma_start3A_7 : memref<128x128xf32, #tpu.memory_space<vmem>>) offsets(%dma_start3A_10 : memref<128xi32, #tpu.memory_space<vmem>>) semaphore(%arg11 : memref<!tpu.dma_semaphore, #tpu.memory_space<semaphore_mem>>)
    %dma_start3A_14 = arith.constant 1 : i32
    %dma_start3A_15 = arith.constant 1 : i32
    %dma_start3A_16 = arith.constant 0 : i32
    %dma_start3A_17 = arith.constant 0 : i32
    %dma_start3A_18 = tpu.memref_slice %arg9[%dma_start3A_15, %dma_start3A_16, %dma_start3A_17] : memref<2x128x128xf32, #tpu.memory_space<vmem>> -> memref<1x128x128xf32, #tpu.memory_space<vmem>>
    %dma_start3A_19 = tpu.memref_squeeze %dma_start3A_18 : memref<1x128x128xf32, #tpu.memory_space<vmem>> -> memref<128x128xf32, #tpu.memory_space<vmem>>
    %dma_start3A_20 = arith.constant 0 : i32
    %dma_start3A_21 = tpu.memref_slice %arg7[%dma_start3A_14, %dma_start3A_20] : memref<40x128xi32, #tpu.memory_space<vmem>> -> memref<1x128xi32, #tpu.memory_space<vmem>>
    %dma_start3A_22 = tpu.memref_squeeze %dma_start3A_21 : memref<1x128xi32, #tpu.memory_space<vmem>> -> memref<128xi32, #tpu.memory_space<vmem>>
    %dma_start3A_23 = arith.constant 0 : i32
    %dma_start3A_24 = arith.constant 0 : i32
    %dma_start3A_25 = tpu.memref_slice %arg2[%dma_start3A_23, %dma_start3A_24] : memref<10000x128xf32, #tpu.memory_space<hbm>> -> memref<10000x128xf32, #tpu.memory_space<hbm>>
    tpu.enqueue_indirect_dma source(%dma_start3A_25 : memref<10000x128xf32, #tpu.memory_space<hbm>>) target(%dma_start3A_19 : memref<128x128xf32, #tpu.memory_space<vmem>>) offsets(%dma_start3A_22 : memref<128xi32, #tpu.memory_space<vmem>>) semaphore(%arg12 : memref<!tpu.dma_semaphore, #tpu.memory_space<semaphore_mem>>)
    %scan3A = arith.constant 0 : i32
    %scan3A_26 = arith.constant 0 : i32
    %scan3A_27 = arith.constant 20 : i32
    %scan3A_28 = arith.addi %scan3A_26, %scan3A_27 : i32
    %scan3A_29 = arith.constant 1 : i32
    scf.for %scan3A_66 = %scan3A_26 to %scan3A_28 step %scan3A_29  : i32 {
      %mul3A_67 = arith.constant 2 : i32
      %mul3A_68 = arith.muli %scan3A_66, %mul3A_67 : i32
      %add3A_69 = arith.constant 0 : i32
      %add3A_70 = arith.addi %mul3A_68, %add3A_69 : i32
      %dma_wait3A = arith.constant 0 : i32
      %dma_wait3A_71 = arith.constant 0 : i32
      %dma_wait3A_72 = arith.constant 0 : i32
      %dma_wait3A_73 = tpu.memref_slice %arg9[%dma_wait3A, %dma_wait3A_71, %dma_wait3A_72] : memref<2x128x128xf32, #tpu.memory_space<vmem>> -> memref<1x128x128xf32, #tpu.memory_space<vmem>>
      %dma_wait3A_74 = tpu.memref_squeeze %dma_wait3A_73 : memref<1x128x128xf32, #tpu.memory_space<vmem>> -> memref<128x128xf32, #tpu.memory_space<vmem>>
      %dma_wait3A_75 = arith.constant 0 : i32
      %dma_wait3A_76 = tpu.memref_slice %arg7[%add3A_70, %dma_wait3A_75] : memref<40x128xi32, #tpu.memory_space<vmem>> -> memref<1x128xi32, #tpu.memory_space<vmem>>
      %dma_wait3A_77 = tpu.memref_squeeze %dma_wait3A_76 : memref<1x128xi32, #tpu.memory_space<vmem>> -> memref<128xi32, #tpu.memory_space<vmem>>
      %dma_wait3A_78 = arith.constant 0 : i32
      %dma_wait3A_79 = arith.constant 0 : i32
      %dma_wait3A_80 = tpu.memref_slice %arg2[%dma_wait3A_78, %dma_wait3A_79] : memref<10000x128xf32, #tpu.memory_space<hbm>> -> memref<10000x128xf32, #tpu.memory_space<hbm>>
      tpu.wait_indirect_dma semaphore(%arg11 : memref<!tpu.dma_semaphore, #tpu.memory_space<semaphore_mem>>) src(%dma_wait3A_80 : memref<10000x128xf32, #tpu.memory_space<hbm>>) dst(%dma_wait3A_74 : memref<128x128xf32, #tpu.memory_space<vmem>>)
      %run_scoped3A = arith.constant 0 : i32
      "tpu.region"() ({
        %run_scoped3A_108 = tpu.sem_alloc : memref<!tpu.dma_semaphore, #tpu.memory_space<semaphore_mem>>
        %dma_start3A_109 = arith.constant 0 : i32
        %dma_start3A_110 = arith.constant 0 : i32
        %dma_start3A_111 = tpu.memref_slice %arg9[%run_scoped3A, %dma_start3A_109, %dma_start3A_110] : memref<2x128x128xf32, #tpu.memory_space<vmem>> -> memref<1x128x128xf32, #tpu.memory_space<vmem>>
        %dma_start3A_112 = tpu.memref_squeeze %dma_start3A_111 : memref<1x128x128xf32, #tpu.memory_space<vmem>> -> memref<128x128xf32, #tpu.memory_space<vmem>>
        %dma_start3A_113 = arith.constant 0 : i32
        %dma_start3A_114 = tpu.memref_slice %arg8[%add3A_70, %dma_start3A_113] : memref<40x128xi32, #tpu.memory_space<vmem>> -> memref<1x128xi32, #tpu.memory_space<vmem>>
        %dma_start3A_115 = tpu.memref_squeeze %dma_start3A_114 : memref<1x128xi32, #tpu.memory_space<vmem>> -> memref<128xi32, #tpu.memory_space<vmem>>
        %dma_start3A_116 = arith.constant 0 : i32
        %dma_start3A_117 = arith.constant 0 : i32
        %dma_start3A_118 = tpu.memref_slice %arg10[%dma_start3A_116, %dma_start3A_117] : memref<10112x128xf32, #tpu.memory_space<vmem_shared>> -> memref<10112x128xf32, #tpu.memory_space<vmem_shared>>
        tpu.enqueue_indirect_dma source(%dma_start3A_112 : memref<128x128xf32, #tpu.memory_space<vmem>>) target(%dma_start3A_118 : memref<10112x128xf32, #tpu.memory_space<vmem_shared>>) offsets(%dma_start3A_115 : memref<128xi32, #tpu.memory_space<vmem>>) semaphore(%run_scoped3A_108 : memref<!tpu.dma_semaphore, #tpu.memory_space<semaphore_mem>>) {add = true}
        %dma_wait3A_119 = arith.constant 0 : i32
        %dma_wait3A_120 = arith.constant 0 : i32
        %dma_wait3A_121 = tpu.memref_slice %arg9[%run_scoped3A, %dma_wait3A_119, %dma_wait3A_120] : memref<2x128x128xf32, #tpu.memory_space<vmem>> -> memref<1x128x128xf32, #tpu.memory_space<vmem>>
        %dma_wait3A_122 = tpu.memref_squeeze %dma_wait3A_121 : memref<1x128x128xf32, #tpu.memory_space<vmem>> -> memref<128x128xf32, #tpu.memory_space<vmem>>
        %dma_wait3A_123 = arith.constant 0 : i32
        %dma_wait3A_124 = tpu.memref_slice %arg8[%add3A_70, %dma_wait3A_123] : memref<40x128xi32, #tpu.memory_space<vmem>> -> memref<1x128xi32, #tpu.memory_space<vmem>>
        %dma_wait3A_125 = tpu.memref_squeeze %dma_wait3A_124 : memref<1x128xi32, #tpu.memory_space<vmem>> -> memref<128xi32, #tpu.memory_space<vmem>>
        %dma_wait3A_126 = arith.constant 0 : i32
        %dma_wait3A_127 = arith.constant 0 : i32
        %dma_wait3A_128 = tpu.memref_slice %arg10[%dma_wait3A_126, %dma_wait3A_127] : memref<10112x128xf32, #tpu.memory_space<vmem_shared>> -> memref<10112x128xf32, #tpu.memory_space<vmem_shared>>
        tpu.wait_indirect_dma semaphore(%run_scoped3A_108 : memref<!tpu.dma_semaphore, #tpu.memory_space<semaphore_mem>>) src(%dma_wait3A_122 : memref<128x128xf32, #tpu.memory_space<vmem>>) dst(%dma_wait3A_128 : memref<10112x128xf32, #tpu.memory_space<vmem_shared>>)
        tpu.yield
      }) : () -> ()
      %add3A_81 = arith.constant 2 : i32
      %add3A_82 = arith.addi %add3A_70, %add3A_81 : i32
      %lt3A = arith.constant 40 : i32
      %lt3A_83 = arith.cmpi slt, %add3A_82, %lt3A : i32
      %convert_element_type3A = arith.extui %lt3A_83 : i1 to i32
      %cond3A = arith.constant 0 : i32
      %cond3A_84 = arith.cmpi ne, %convert_element_type3A, %cond3A : i32
      scf.if %cond3A_84 {
        %dma_start3A_108 = arith.constant 0 : i32
        %dma_start3A_109 = arith.constant 0 : i32
        %dma_start3A_110 = arith.constant 0 : i32
        %dma_start3A_111 = tpu.memref_slice %arg9[%dma_start3A_108, %dma_start3A_109, %dma_start3A_110] : memref<2x128x128xf32, #tpu.memory_space<vmem>> -> memref<1x128x128xf32, #tpu.memory_space<vmem>>
        %dma_start3A_112 = tpu.memref_squeeze %dma_start3A_111 : memref<1x128x128xf32, #tpu.memory_space<vmem>> -> memref<128x128xf32, #tpu.memory_space<vmem>>
        %dma_start3A_113 = arith.constant 0 : i32
        %dma_start3A_114 = tpu.memref_slice %arg7[%add3A_82, %dma_start3A_113] : memref<40x128xi32, #tpu.memory_space<vmem>> -> memref<1x128xi32, #tpu.memory_space<vmem>>
        %dma_start3A_115 = tpu.memref_squeeze %dma_start3A_114 : memref<1x128xi32, #tpu.memory_space<vmem>> -> memref<128xi32, #tpu.memory_space<vmem>>
        %dma_start3A_116 = arith.constant 0 : i32
        %dma_start3A_117 = arith.constant 0 : i32
        %dma_start3A_118 = tpu.memref_slice %arg2[%dma_start3A_116, %dma_start3A_117] : memref<10000x128xf32, #tpu.memory_space<hbm>> -> memref<10000x128xf32, #tpu.memory_space<hbm>>
        tpu.enqueue_indirect_dma source(%dma_start3A_118 : memref<10000x128xf32, #tpu.memory_space<hbm>>) target(%dma_start3A_112 : memref<128x128xf32, #tpu.memory_space<vmem>>) offsets(%dma_start3A_115 : memref<128xi32, #tpu.memory_space<vmem>>) semaphore(%arg11 : memref<!tpu.dma_semaphore, #tpu.memory_space<semaphore_mem>>)
      } else {
      }
      %mul3A_85 = arith.constant 2 : i32
      %mul3A_86 = arith.muli %scan3A_66, %mul3A_85 : i32
      %add3A_87 = arith.constant 1 : i32
      %add3A_88 = arith.addi %mul3A_86, %add3A_87 : i32
      %dma_wait3A_89 = arith.constant 1 : i32
      %dma_wait3A_90 = arith.constant 0 : i32
      %dma_wait3A_91 = arith.constant 0 : i32
      %dma_wait3A_92 = tpu.memref_slice %arg9[%dma_wait3A_89, %dma_wait3A_90, %dma_wait3A_91] : memref<2x128x128xf32, #tpu.memory_space<vmem>> -> memref<1x128x128xf32, #tpu.memory_space<vmem>>
      %dma_wait3A_93 = tpu.memref_squeeze %dma_wait3A_92 : memref<1x128x128xf32, #tpu.memory_space<vmem>> -> memref<128x128xf32, #tpu.memory_space<vmem>>
      %dma_wait3A_94 = arith.constant 0 : i32
      %dma_wait3A_95 = tpu.memref_slice %arg7[%add3A_88, %dma_wait3A_94] : memref<40x128xi32, #tpu.memory_space<vmem>> -> memref<1x128xi32, #tpu.memory_space<vmem>>
      %dma_wait3A_96 = tpu.memref_squeeze %dma_wait3A_95 : memref<1x128xi32, #tpu.memory_space<vmem>> -> memref<128xi32, #tpu.memory_space<vmem>>
      %dma_wait3A_97 = arith.constant 0 : i32
      %dma_wait3A_98 = arith.constant 0 : i32
      %dma_wait3A_99 = tpu.memref_slice %arg2[%dma_wait3A_97, %dma_wait3A_98] : memref<10000x128xf32, #tpu.memory_space<hbm>> -> memref<10000x128xf32, #tpu.memory_space<hbm>>
      tpu.wait_indirect_dma semaphore(%arg12 : memref<!tpu.dma_semaphore, #tpu.memory_space<semaphore_mem>>) src(%dma_wait3A_99 : memref<10000x128xf32, #tpu.memory_space<hbm>>) dst(%dma_wait3A_93 : memref<128x128xf32, #tpu.memory_space<vmem>>)
      %run_scoped3A_100 = arith.constant 1 : i32
      "tpu.region"() ({
        %run_scoped3A_108 = tpu.sem_alloc : memref<!tpu.dma_semaphore, #tpu.memory_space<semaphore_mem>>
        %dma_start3A_109 = arith.constant 0 : i32
        %dma_start3A_110 = arith.constant 0 : i32
        %dma_start3A_111 = tpu.memref_slice %arg9[%run_scoped3A_100, %dma_start3A_109, %dma_start3A_110] : memref<2x128x128xf32, #tpu.memory_space<vmem>> -> memref<1x128x128xf32, #tpu.memory_space<vmem>>
        %dma_start3A_112 = tpu.memref_squeeze %dma_start3A_111 : memref<1x128x128xf32, #tpu.memory_space<vmem>> -> memref<128x128xf32, #tpu.memory_space<vmem>>
        %dma_start3A_113 = arith.constant 0 : i32
        %dma_start3A_114 = tpu.memref_slice %arg8[%add3A_88, %dma_start3A_113] : memref<40x128xi32, #tpu.memory_space<vmem>> -> memref<1x128xi32, #tpu.memory_space<vmem>>
        %dma_start3A_115 = tpu.memref_squeeze %dma_start3A_114 : memref<1x128xi32, #tpu.memory_space<vmem>> -> memref<128xi32, #tpu.memory_space<vmem>>
        %dma_start3A_116 = arith.constant 0 : i32
        %dma_start3A_117 = arith.constant 0 : i32
        %dma_start3A_118 = tpu.memref_slice %arg10[%dma_start3A_116, %dma_start3A_117] : memref<10112x128xf32, #tpu.memory_space<vmem_shared>> -> memref<10112x128xf32, #tpu.memory_space<vmem_shared>>
        tpu.enqueue_indirect_dma source(%dma_start3A_112 : memref<128x128xf32, #tpu.memory_space<vmem>>) target(%dma_start3A_118 : memref<10112x128xf32, #tpu.memory_space<vmem_shared>>) offsets(%dma_start3A_115 : memref<128xi32, #tpu.memory_space<vmem>>) semaphore(%run_scoped3A_108 : memref<!tpu.dma_semaphore, #tpu.memory_space<semaphore_mem>>) {add = true}
        %dma_wait3A_119 = arith.constant 0 : i32
        %dma_wait3A_120 = arith.constant 0 : i32
        %dma_wait3A_121 = tpu.memref_slice %arg9[%run_scoped3A_100, %dma_wait3A_119, %dma_wait3A_120] : memref<2x128x128xf32, #tpu.memory_space<vmem>> -> memref<1x128x128xf32, #tpu.memory_space<vmem>>
        %dma_wait3A_122 = tpu.memref_squeeze %dma_wait3A_121 : memref<1x128x128xf32, #tpu.memory_space<vmem>> -> memref<128x128xf32, #tpu.memory_space<vmem>>
        %dma_wait3A_123 = arith.constant 0 : i32
        %dma_wait3A_124 = tpu.memref_slice %arg8[%add3A_88, %dma_wait3A_123] : memref<40x128xi32, #tpu.memory_space<vmem>> -> memref<1x128xi32, #tpu.memory_space<vmem>>
        %dma_wait3A_125 = tpu.memref_squeeze %dma_wait3A_124 : memref<1x128xi32, #tpu.memory_space<vmem>> -> memref<128xi32, #tpu.memory_space<vmem>>
        %dma_wait3A_126 = arith.constant 0 : i32
        %dma_wait3A_127 = arith.constant 0 : i32
        %dma_wait3A_128 = tpu.memref_slice %arg10[%dma_wait3A_126, %dma_wait3A_127] : memref<10112x128xf32, #tpu.memory_space<vmem_shared>> -> memref<10112x128xf32, #tpu.memory_space<vmem_shared>>
        tpu.wait_indirect_dma semaphore(%run_scoped3A_108 : memref<!tpu.dma_semaphore, #tpu.memory_space<semaphore_mem>>) src(%dma_wait3A_122 : memref<128x128xf32, #tpu.memory_space<vmem>>) dst(%dma_wait3A_128 : memref<10112x128xf32, #tpu.memory_space<vmem_shared>>)
        tpu.yield
      }) : () -> ()
      %add3A_101 = arith.constant 2 : i32
      %add3A_102 = arith.addi %add3A_88, %add3A_101 : i32
      %lt3A_103 = arith.constant 40 : i32
      %lt3A_104 = arith.cmpi slt, %add3A_102, %lt3A_103 : i32
      %convert_element_type3A_105 = arith.extui %lt3A_104 : i1 to i32
      %cond3A_106 = arith.constant 0 : i32
      %cond3A_107 = arith.cmpi ne, %convert_element_type3A_105, %cond3A_106 : i32
      scf.if %cond3A_107 {
        %dma_start3A_108 = arith.constant 1 : i32
        %dma_start3A_109 = arith.constant 0 : i32
        %dma_start3A_110 = arith.constant 0 : i32
        %dma_start3A_111 = tpu.memref_slice %arg9[%dma_start3A_108, %dma_start3A_109, %dma_start3A_110] : memref<2x128x128xf32, #tpu.memory_space<vmem>> -> memref<1x128x128xf32, #tpu.memory_space<vmem>>
        %dma_start3A_112 = tpu.memref_squeeze %dma_start3A_111 : memref<1x128x128xf32, #tpu.memory_space<vmem>> -> memref<128x128xf32, #tpu.memory_space<vmem>>
        %dma_start3A_113 = arith.constant 0 : i32
        %dma_start3A_114 = tpu.memref_slice %arg7[%add3A_102, %dma_start3A_113] : memref<40x128xi32, #tpu.memory_space<vmem>> -> memref<1x128xi32, #tpu.memory_space<vmem>>
        %dma_start3A_115 = tpu.memref_squeeze %dma_start3A_114 : memref<1x128xi32, #tpu.memory_space<vmem>> -> memref<128xi32, #tpu.memory_space<vmem>>
        %dma_start3A_116 = arith.constant 0 : i32
        %dma_start3A_117 = arith.constant 0 : i32
        %dma_start3A_118 = tpu.memref_slice %arg2[%dma_start3A_116, %dma_start3A_117] : memref<10000x128xf32, #tpu.memory_space<hbm>> -> memref<10000x128xf32, #tpu.memory_space<hbm>>
        tpu.enqueue_indirect_dma source(%dma_start3A_118 : memref<10000x128xf32, #tpu.memory_space<hbm>>) target(%dma_start3A_112 : memref<128x128xf32, #tpu.memory_space<vmem>>) offsets(%dma_start3A_115 : memref<128xi32, #tpu.memory_space<vmem>>) semaphore(%arg12 : memref<!tpu.dma_semaphore, #tpu.memory_space<semaphore_mem>>)
      } else {
      }
    }
    %scan3A_30 = arith.constant 20 : i32
    "tpu.region"() ({
      %run_scoped3A = tpu.sem_alloc : memref<!tpu.dma_semaphore, #tpu.memory_space<semaphore_mem>>
      %dma_start3A_66 = arith.constant 40 : i32
      %dma_start3A_67 = arith.constant 0 : i32
      %dma_start3A_68 = tpu.memref_slice %arg3[%add3A, %dma_start3A_66, %dma_start3A_67] : memref<32x80x128xi32, #tpu.memory_space<hbm>> -> memref<1x40x128xi32, #tpu.memory_space<hbm>>
      %dma_start3A_69 = tpu.memref_squeeze %dma_start3A_68 : memref<1x40x128xi32, #tpu.memory_space<hbm>> -> memref<40x128xi32, #tpu.memory_space<hbm>>
      %dma_start3A_70 = arith.constant 40 : i32
      %dma_start3A_71 = arith.constant 0 : i32
      %dma_start3A_72 = tpu.memref_slice %arg3[%add3A, %dma_start3A_70, %dma_start3A_71] : memref<32x80x128xi32, #tpu.memory_space<hbm>> -> memref<1x40x128xi32, #tpu.memory_space<hbm>>
      %dma_start3A_73 = tpu.memref_squeeze %dma_start3A_72 : memref<1x40x128xi32, #tpu.memory_space<hbm>> -> memref<40x128xi32, #tpu.memory_space<hbm>>
      tpu.enqueue_dma source(%dma_start3A_73 : memref<40x128xi32, #tpu.memory_space<hbm>>) target(%arg7 : memref<40x128xi32, #tpu.memory_space<vmem>>) target_semaphore(%run_scoped3A : memref<!tpu.dma_semaphore, #tpu.memory_space<semaphore_mem>>)
      %dma_wait3A = arith.constant 40 : i32
      %dma_wait3A_74 = arith.constant 0 : i32
      %dma_wait3A_75 = tpu.memref_slice %arg3[%add3A, %dma_wait3A, %dma_wait3A_74] : memref<32x80x128xi32, #tpu.memory_space<hbm>> -> memref<1x40x128xi32, #tpu.memory_space<hbm>>
      %dma_wait3A_76 = tpu.memref_squeeze %dma_wait3A_75 : memref<1x40x128xi32, #tpu.memory_space<hbm>> -> memref<40x128xi32, #tpu.memory_space<hbm>>
      %dma_wait3A_77 = arith.constant 40 : i32
      %dma_wait3A_78 = arith.constant 0 : i32
      %dma_wait3A_79 = tpu.memref_slice %arg3[%add3A, %dma_wait3A_77, %dma_wait3A_78] : memref<32x80x128xi32, #tpu.memory_space<hbm>> -> memref<1x40x128xi32, #tpu.memory_space<hbm>>
      %dma_wait3A_80 = tpu.memref_squeeze %dma_wait3A_79 : memref<1x40x128xi32, #tpu.memory_space<hbm>> -> memref<40x128xi32, #tpu.memory_space<hbm>>
      tpu.wait_dma2 semaphore(%run_scoped3A : memref<!tpu.dma_semaphore, #tpu.memory_space<semaphore_mem>>) src(%dma_wait3A_80 : memref<40x128xi32, #tpu.memory_space<hbm>>) dst(%arg7 : memref<40x128xi32, #tpu.memory_space<vmem>>)
      tpu.yield
    }) : () -> ()
    "tpu.region"() ({
      %run_scoped3A = tpu.sem_alloc : memref<!tpu.dma_semaphore, #tpu.memory_space<semaphore_mem>>
      %dma_start3A_66 = arith.constant 40 : i32
      %dma_start3A_67 = arith.constant 0 : i32
      %dma_start3A_68 = tpu.memref_slice %arg4[%add3A, %dma_start3A_66, %dma_start3A_67] : memref<32x80x128xi32, #tpu.memory_space<hbm>> -> memref<1x40x128xi32, #tpu.memory_space<hbm>>
      %dma_start3A_69 = tpu.memref_squeeze %dma_start3A_68 : memref<1x40x128xi32, #tpu.memory_space<hbm>> -> memref<40x128xi32, #tpu.memory_space<hbm>>
      %dma_start3A_70 = arith.constant 40 : i32
      %dma_start3A_71 = arith.constant 0 : i32
      %dma_start3A_72 = tpu.memref_slice %arg4[%add3A, %dma_start3A_70, %dma_start3A_71] : memref<32x80x128xi32, #tpu.memory_space<hbm>> -> memref<1x40x128xi32, #tpu.memory_space<hbm>>
      %dma_start3A_73 = tpu.memref_squeeze %dma_start3A_72 : memref<1x40x128xi32, #tpu.memory_space<hbm>> -> memref<40x128xi32, #tpu.memory_space<hbm>>
      tpu.enqueue_dma source(%dma_start3A_73 : memref<40x128xi32, #tpu.memory_space<hbm>>) target(%arg8 : memref<40x128xi32, #tpu.memory_space<vmem>>) target_semaphore(%run_scoped3A : memref<!tpu.dma_semaphore, #tpu.memory_space<semaphore_mem>>)
      %dma_wait3A = arith.constant 40 : i32
      %dma_wait3A_74 = arith.constant 0 : i32
      %dma_wait3A_75 = tpu.memref_slice %arg4[%add3A, %dma_wait3A, %dma_wait3A_74] : memref<32x80x128xi32, #tpu.memory_space<hbm>> -> memref<1x40x128xi32, #tpu.memory_space<hbm>>
      %dma_wait3A_76 = tpu.memref_squeeze %dma_wait3A_75 : memref<1x40x128xi32, #tpu.memory_space<hbm>> -> memref<40x128xi32, #tpu.memory_space<hbm>>
      %dma_wait3A_77 = arith.constant 40 : i32
      %dma_wait3A_78 = arith.constant 0 : i32
      %dma_wait3A_79 = tpu.memref_slice %arg4[%add3A, %dma_wait3A_77, %dma_wait3A_78] : memref<32x80x128xi32, #tpu.memory_space<hbm>> -> memref<1x40x128xi32, #tpu.memory_space<hbm>>
      %dma_wait3A_80 = tpu.memref_squeeze %dma_wait3A_79 : memref<1x40x128xi32, #tpu.memory_space<hbm>> -> memref<40x128xi32, #tpu.memory_space<hbm>>
      tpu.wait_dma2 semaphore(%run_scoped3A : memref<!tpu.dma_semaphore, #tpu.memory_space<semaphore_mem>>) src(%dma_wait3A_80 : memref<40x128xi32, #tpu.memory_space<hbm>>) dst(%arg8 : memref<40x128xi32, #tpu.memory_space<vmem>>)
      tpu.yield
    }) : () -> ()
    %dma_start3A_31 = arith.constant 0 : i32
    %dma_start3A_32 = arith.constant 0 : i32
    %dma_start3A_33 = arith.constant 0 : i32
    %dma_start3A_34 = arith.constant 0 : i32
    %dma_start3A_35 = tpu.memref_slice %arg9[%dma_start3A_32, %dma_start3A_33, %dma_start3A_34] : memref<2x128x128xf32, #tpu.memory_space<vmem>> -> memref<1x128x128xf32, #tpu.memory_space<vmem>>
    %dma_start3A_36 = tpu.memref_squeeze %dma_start3A_35 : memref<1x128x128xf32, #tpu.memory_space<vmem>> -> memref<128x128xf32, #tpu.memory_space<vmem>>
    %dma_start3A_37 = arith.constant 0 : i32
    %dma_start3A_38 = tpu.memref_slice %arg7[%dma_start3A_31, %dma_start3A_37] : memref<40x128xi32, #tpu.memory_space<vmem>> -> memref<1x128xi32, #tpu.memory_space<vmem>>
    %dma_start3A_39 = tpu.memref_squeeze %dma_start3A_38 : memref<1x128xi32, #tpu.memory_space<vmem>> -> memref<128xi32, #tpu.memory_space<vmem>>
    %dma_start3A_40 = arith.constant 0 : i32
    %dma_start3A_41 = arith.constant 0 : i32
    %dma_start3A_42 = tpu.memref_slice %arg2[%dma_start3A_40, %dma_start3A_41] : memref<10000x128xf32, #tpu.memory_space<hbm>> -> memref<10000x128xf32, #tpu.memory_space<hbm>>
    tpu.enqueue_indirect_dma source(%dma_start3A_42 : memref<10000x128xf32, #tpu.memory_space<hbm>>) target(%dma_start3A_36 : memref<128x128xf32, #tpu.memory_space<vmem>>) offsets(%dma_start3A_39 : memref<128xi32, #tpu.memory_space<vmem>>) semaphore(%arg11 : memref<!tpu.dma_semaphore, #tpu.memory_space<semaphore_mem>>)
    %dma_start3A_43 = arith.constant 1 : i32
    %dma_start3A_44 = arith.constant 1 : i32
    %dma_start3A_45 = arith.constant 0 : i32
    %dma_start3A_46 = arith.constant 0 : i32
    %dma_start3A_47 = tpu.memref_slice %arg9[%dma_start3A_44, %dma_start3A_45, %dma_start3A_46] : memref<2x128x128xf32, #tpu.memory_space<vmem>> -> memref<1x128x128xf32, #tpu.memory_space<vmem>>
    %dma_start3A_48 = tpu.memref_squeeze %dma_start3A_47 : memref<1x128x128xf32, #tpu.memory_space<vmem>> -> memref<128x128xf32, #tpu.memory_space<vmem>>
    %dma_start3A_49 = arith.constant 0 : i32
    %dma_start3A_50 = tpu.memref_slice %arg7[%dma_start3A_43, %dma_start3A_49] : memref<40x128xi32, #tpu.memory_space<vmem>> -> memref<1x128xi32, #tpu.memory_space<vmem>>
    %dma_start3A_51 = tpu.memref_squeeze %dma_start3A_50 : memref<1x128xi32, #tpu.memory_space<vmem>> -> memref<128xi32, #tpu.memory_space<vmem>>
    %dma_start3A_52 = arith.constant 0 : i32
    %dma_start3A_53 = arith.constant 0 : i32
    %dma_start3A_54 = tpu.memref_slice %arg2[%dma_start3A_52, %dma_start3A_53] : memref<10000x128xf32, #tpu.memory_space<hbm>> -> memref<10000x128xf32, #tpu.memory_space<hbm>>
    tpu.enqueue_indirect_dma source(%dma_start3A_54 : memref<10000x128xf32, #tpu.memory_space<hbm>>) target(%dma_start3A_48 : memref<128x128xf32, #tpu.memory_space<vmem>>) offsets(%dma_start3A_51 : memref<128xi32, #tpu.memory_space<vmem>>) semaphore(%arg12 : memref<!tpu.dma_semaphore, #tpu.memory_space<semaphore_mem>>)
    %scan3A_55 = arith.constant 0 : i32
    %scan3A_56 = arith.constant 0 : i32
    %scan3A_57 = arith.constant 20 : i32
    %scan3A_58 = arith.addi %scan3A_56, %scan3A_57 : i32
    %scan3A_59 = arith.constant 1 : i32
    scf.for %scan3A_66 = %scan3A_56 to %scan3A_58 step %scan3A_59  : i32 {
      %mul3A_67 = arith.constant 2 : i32
      %mul3A_68 = arith.muli %scan3A_66, %mul3A_67 : i32
      %add3A_69 = arith.constant 0 : i32
      %add3A_70 = arith.addi %mul3A_68, %add3A_69 : i32
      %dma_wait3A = arith.constant 0 : i32
      %dma_wait3A_71 = arith.constant 0 : i32
      %dma_wait3A_72 = arith.constant 0 : i32
      %dma_wait3A_73 = tpu.memref_slice %arg9[%dma_wait3A, %dma_wait3A_71, %dma_wait3A_72] : memref<2x128x128xf32, #tpu.memory_space<vmem>> -> memref<1x128x128xf32, #tpu.memory_space<vmem>>
      %dma_wait3A_74 = tpu.memref_squeeze %dma_wait3A_73 : memref<1x128x128xf32, #tpu.memory_space<vmem>> -> memref<128x128xf32, #tpu.memory_space<vmem>>
      %dma_wait3A_75 = arith.constant 0 : i32
      %dma_wait3A_76 = tpu.memref_slice %arg7[%add3A_70, %dma_wait3A_75] : memref<40x128xi32, #tpu.memory_space<vmem>> -> memref<1x128xi32, #tpu.memory_space<vmem>>
      %dma_wait3A_77 = tpu.memref_squeeze %dma_wait3A_76 : memref<1x128xi32, #tpu.memory_space<vmem>> -> memref<128xi32, #tpu.memory_space<vmem>>
      %dma_wait3A_78 = arith.constant 0 : i32
      %dma_wait3A_79 = arith.constant 0 : i32
      %dma_wait3A_80 = tpu.memref_slice %arg2[%dma_wait3A_78, %dma_wait3A_79] : memref<10000x128xf32, #tpu.memory_space<hbm>> -> memref<10000x128xf32, #tpu.memory_space<hbm>>
      tpu.wait_indirect_dma semaphore(%arg11 : memref<!tpu.dma_semaphore, #tpu.memory_space<semaphore_mem>>) src(%dma_wait3A_80 : memref<10000x128xf32, #tpu.memory_space<hbm>>) dst(%dma_wait3A_74 : memref<128x128xf32, #tpu.memory_space<vmem>>)
      %run_scoped3A = arith.constant 0 : i32
      "tpu.region"() ({
        %run_scoped3A_108 = tpu.sem_alloc : memref<!tpu.dma_semaphore, #tpu.memory_space<semaphore_mem>>
        %dma_start3A_109 = arith.constant 0 : i32
        %dma_start3A_110 = arith.constant 0 : i32
        %dma_start3A_111 = tpu.memref_slice %arg9[%run_scoped3A, %dma_start3A_109, %dma_start3A_110] : memref<2x128x128xf32, #tpu.memory_space<vmem>> -> memref<1x128x128xf32, #tpu.memory_space<vmem>>
        %dma_start3A_112 = tpu.memref_squeeze %dma_start3A_111 : memref<1x128x128xf32, #tpu.memory_space<vmem>> -> memref<128x128xf32, #tpu.memory_space<vmem>>
        %dma_start3A_113 = arith.constant 0 : i32
        %dma_start3A_114 = tpu.memref_slice %arg8[%add3A_70, %dma_start3A_113] : memref<40x128xi32, #tpu.memory_space<vmem>> -> memref<1x128xi32, #tpu.memory_space<vmem>>
        %dma_start3A_115 = tpu.memref_squeeze %dma_start3A_114 : memref<1x128xi32, #tpu.memory_space<vmem>> -> memref<128xi32, #tpu.memory_space<vmem>>
        %dma_start3A_116 = arith.constant 0 : i32
        %dma_start3A_117 = arith.constant 0 : i32
        %dma_start3A_118 = tpu.memref_slice %arg10[%dma_start3A_116, %dma_start3A_117] : memref<10112x128xf32, #tpu.memory_space<vmem_shared>> -> memref<10112x128xf32, #tpu.memory_space<vmem_shared>>
        tpu.enqueue_indirect_dma source(%dma_start3A_112 : memref<128x128xf32, #tpu.memory_space<vmem>>) target(%dma_start3A_118 : memref<10112x128xf32, #tpu.memory_space<vmem_shared>>) offsets(%dma_start3A_115 : memref<128xi32, #tpu.memory_space<vmem>>) semaphore(%run_scoped3A_108 : memref<!tpu.dma_semaphore, #tpu.memory_space<semaphore_mem>>) {add = true}
        %dma_wait3A_119 = arith.constant 0 : i32
        %dma_wait3A_120 = arith.constant 0 : i32
        %dma_wait3A_121 = tpu.memref_slice %arg9[%run_scoped3A, %dma_wait3A_119, %dma_wait3A_120] : memref<2x128x128xf32, #tpu.memory_space<vmem>> -> memref<1x128x128xf32, #tpu.memory_space<vmem>>
        %dma_wait3A_122 = tpu.memref_squeeze %dma_wait3A_121 : memref<1x128x128xf32, #tpu.memory_space<vmem>> -> memref<128x128xf32, #tpu.memory_space<vmem>>
        %dma_wait3A_123 = arith.constant 0 : i32
        %dma_wait3A_124 = tpu.memref_slice %arg8[%add3A_70, %dma_wait3A_123] : memref<40x128xi32, #tpu.memory_space<vmem>> -> memref<1x128xi32, #tpu.memory_space<vmem>>
        %dma_wait3A_125 = tpu.memref_squeeze %dma_wait3A_124 : memref<1x128xi32, #tpu.memory_space<vmem>> -> memref<128xi32, #tpu.memory_space<vmem>>
        %dma_wait3A_126 = arith.constant 0 : i32
        %dma_wait3A_127 = arith.constant 0 : i32
        %dma_wait3A_128 = tpu.memref_slice %arg10[%dma_wait3A_126, %dma_wait3A_127] : memref<10112x128xf32, #tpu.memory_space<vmem_shared>> -> memref<10112x128xf32, #tpu.memory_space<vmem_shared>>
        tpu.wait_indirect_dma semaphore(%run_scoped3A_108 : memref<!tpu.dma_semaphore, #tpu.memory_space<semaphore_mem>>) src(%dma_wait3A_122 : memref<128x128xf32, #tpu.memory_space<vmem>>) dst(%dma_wait3A_128 : memref<10112x128xf32, #tpu.memory_space<vmem_shared>>)
        tpu.yield
      }) : () -> ()
      %add3A_81 = arith.constant 2 : i32
      %add3A_82 = arith.addi %add3A_70, %add3A_81 : i32
      %lt3A = arith.constant 40 : i32
      %lt3A_83 = arith.cmpi slt, %add3A_82, %lt3A : i32
      %convert_element_type3A = arith.extui %lt3A_83 : i1 to i32
      %cond3A = arith.constant 0 : i32
      %cond3A_84 = arith.cmpi ne, %convert_element_type3A, %cond3A : i32
      scf.if %cond3A_84 {
        %dma_start3A_108 = arith.constant 0 : i32
        %dma_start3A_109 = arith.constant 0 : i32
        %dma_start3A_110 = arith.constant 0 : i32
        %dma_start3A_111 = tpu.memref_slice %arg9[%dma_start3A_108, %dma_start3A_109, %dma_start3A_110] : memref<2x128x128xf32, #tpu.memory_space<vmem>> -> memref<1x128x128xf32, #tpu.memory_space<vmem>>
        %dma_start3A_112 = tpu.memref_squeeze %dma_start3A_111 : memref<1x128x128xf32, #tpu.memory_space<vmem>> -> memref<128x128xf32, #tpu.memory_space<vmem>>
        %dma_start3A_113 = arith.constant 0 : i32
        %dma_start3A_114 = tpu.memref_slice %arg7[%add3A_82, %dma_start3A_113] : memref<40x128xi32, #tpu.memory_space<vmem>> -> memref<1x128xi32, #tpu.memory_space<vmem>>
        %dma_start3A_115 = tpu.memref_squeeze %dma_start3A_114 : memref<1x128xi32, #tpu.memory_space<vmem>> -> memref<128xi32, #tpu.memory_space<vmem>>
        %dma_start3A_116 = arith.constant 0 : i32
        %dma_start3A_117 = arith.constant 0 : i32
        %dma_start3A_118 = tpu.memref_slice %arg2[%dma_start3A_116, %dma_start3A_117] : memref<10000x128xf32, #tpu.memory_space<hbm>> -> memref<10000x128xf32, #tpu.memory_space<hbm>>
        tpu.enqueue_indirect_dma source(%dma_start3A_118 : memref<10000x128xf32, #tpu.memory_space<hbm>>) target(%dma_start3A_112 : memref<128x128xf32, #tpu.memory_space<vmem>>) offsets(%dma_start3A_115 : memref<128xi32, #tpu.memory_space<vmem>>) semaphore(%arg11 : memref<!tpu.dma_semaphore, #tpu.memory_space<semaphore_mem>>)
      } else {
      }
      %mul3A_85 = arith.constant 2 : i32
      %mul3A_86 = arith.muli %scan3A_66, %mul3A_85 : i32
      %add3A_87 = arith.constant 1 : i32
      %add3A_88 = arith.addi %mul3A_86, %add3A_87 : i32
      %dma_wait3A_89 = arith.constant 1 : i32
      %dma_wait3A_90 = arith.constant 0 : i32
      %dma_wait3A_91 = arith.constant 0 : i32
      %dma_wait3A_92 = tpu.memref_slice %arg9[%dma_wait3A_89, %dma_wait3A_90, %dma_wait3A_91] : memref<2x128x128xf32, #tpu.memory_space<vmem>> -> memref<1x128x128xf32, #tpu.memory_space<vmem>>
      %dma_wait3A_93 = tpu.memref_squeeze %dma_wait3A_92 : memref<1x128x128xf32, #tpu.memory_space<vmem>> -> memref<128x128xf32, #tpu.memory_space<vmem>>
      %dma_wait3A_94 = arith.constant 0 : i32
      %dma_wait3A_95 = tpu.memref_slice %arg7[%add3A_88, %dma_wait3A_94] : memref<40x128xi32, #tpu.memory_space<vmem>> -> memref<1x128xi32, #tpu.memory_space<vmem>>
      %dma_wait3A_96 = tpu.memref_squeeze %dma_wait3A_95 : memref<1x128xi32, #tpu.memory_space<vmem>> -> memref<128xi32, #tpu.memory_space<vmem>>
      %dma_wait3A_97 = arith.constant 0 : i32
      %dma_wait3A_98 = arith.constant 0 : i32
      %dma_wait3A_99 = tpu.memref_slice %arg2[%dma_wait3A_97, %dma_wait3A_98] : memref<10000x128xf32, #tpu.memory_space<hbm>> -> memref<10000x128xf32, #tpu.memory_space<hbm>>
      tpu.wait_indirect_dma semaphore(%arg12 : memref<!tpu.dma_semaphore, #tpu.memory_space<semaphore_mem>>) src(%dma_wait3A_99 : memref<10000x128xf32, #tpu.memory_space<hbm>>) dst(%dma_wait3A_93 : memref<128x128xf32, #tpu.memory_space<vmem>>)
      %run_scoped3A_100 = arith.constant 1 : i32
      "tpu.region"() ({
        %run_scoped3A_108 = tpu.sem_alloc : memref<!tpu.dma_semaphore, #tpu.memory_space<semaphore_mem>>
        %dma_start3A_109 = arith.constant 0 : i32
        %dma_start3A_110 = arith.constant 0 : i32
        %dma_start3A_111 = tpu.memref_slice %arg9[%run_scoped3A_100, %dma_start3A_109, %dma_start3A_110] : memref<2x128x128xf32, #tpu.memory_space<vmem>> -> memref<1x128x128xf32, #tpu.memory_space<vmem>>
        %dma_start3A_112 = tpu.memref_squeeze %dma_start3A_111 : memref<1x128x128xf32, #tpu.memory_space<vmem>> -> memref<128x128xf32, #tpu.memory_space<vmem>>
        %dma_start3A_113 = arith.constant 0 : i32
        %dma_start3A_114 = tpu.memref_slice %arg8[%add3A_88, %dma_start3A_113] : memref<40x128xi32, #tpu.memory_space<vmem>> -> memref<1x128xi32, #tpu.memory_space<vmem>>
        %dma_start3A_115 = tpu.memref_squeeze %dma_start3A_114 : memref<1x128xi32, #tpu.memory_space<vmem>> -> memref<128xi32, #tpu.memory_space<vmem>>
        %dma_start3A_116 = arith.constant 0 : i32
        %dma_start3A_117 = arith.constant 0 : i32
        %dma_start3A_118 = tpu.memref_slice %arg10[%dma_start3A_116, %dma_start3A_117] : memref<10112x128xf32, #tpu.memory_space<vmem_shared>> -> memref<10112x128xf32, #tpu.memory_space<vmem_shared>>
        tpu.enqueue_indirect_dma source(%dma_start3A_112 : memref<128x128xf32, #tpu.memory_space<vmem>>) target(%dma_start3A_118 : memref<10112x128xf32, #tpu.memory_space<vmem_shared>>) offsets(%dma_start3A_115 : memref<128xi32, #tpu.memory_space<vmem>>) semaphore(%run_scoped3A_108 : memref<!tpu.dma_semaphore, #tpu.memory_space<semaphore_mem>>) {add = true}
        %dma_wait3A_119 = arith.constant 0 : i32
        %dma_wait3A_120 = arith.constant 0 : i32
        %dma_wait3A_121 = tpu.memref_slice %arg9[%run_scoped3A_100, %dma_wait3A_119, %dma_wait3A_120] : memref<2x128x128xf32, #tpu.memory_space<vmem>> -> memref<1x128x128xf32, #tpu.memory_space<vmem>>
        %dma_wait3A_122 = tpu.memref_squeeze %dma_wait3A_121 : memref<1x128x128xf32, #tpu.memory_space<vmem>> -> memref<128x128xf32, #tpu.memory_space<vmem>>
        %dma_wait3A_123 = arith.constant 0 : i32
        %dma_wait3A_124 = tpu.memref_slice %arg8[%add3A_88, %dma_wait3A_123] : memref<40x128xi32, #tpu.memory_space<vmem>> -> memref<1x128xi32, #tpu.memory_space<vmem>>
        %dma_wait3A_125 = tpu.memref_squeeze %dma_wait3A_124 : memref<1x128xi32, #tpu.memory_space<vmem>> -> memref<128xi32, #tpu.memory_space<vmem>>
        %dma_wait3A_126 = arith.constant 0 : i32
        %dma_wait3A_127 = arith.constant 0 : i32
        %dma_wait3A_128 = tpu.memref_slice %arg10[%dma_wait3A_126, %dma_wait3A_127] : memref<10112x128xf32, #tpu.memory_space<vmem_shared>> -> memref<10112x128xf32, #tpu.memory_space<vmem_shared>>
        tpu.wait_indirect_dma semaphore(%run_scoped3A_108 : memref<!tpu.dma_semaphore, #tpu.memory_space<semaphore_mem>>) src(%dma_wait3A_122 : memref<128x128xf32, #tpu.memory_space<vmem>>) dst(%dma_wait3A_128 : memref<10112x128xf32, #tpu.memory_space<vmem_shared>>)
        tpu.yield
      }) : () -> ()
      %add3A_101 = arith.constant 2 : i32
      %add3A_102 = arith.addi %add3A_88, %add3A_101 : i32
      %lt3A_103 = arith.constant 40 : i32
      %lt3A_104 = arith.cmpi slt, %add3A_102, %lt3A_103 : i32
      %convert_element_type3A_105 = arith.extui %lt3A_104 : i1 to i32
      %cond3A_106 = arith.constant 0 : i32
      %cond3A_107 = arith.cmpi ne, %convert_element_type3A_105, %cond3A_106 : i32
      scf.if %cond3A_107 {
        %dma_start3A_108 = arith.constant 1 : i32
        %dma_start3A_109 = arith.constant 0 : i32
        %dma_start3A_110 = arith.constant 0 : i32
        %dma_start3A_111 = tpu.memref_slice %arg9[%dma_start3A_108, %dma_start3A_109, %dma_start3A_110] : memref<2x128x128xf32, #tpu.memory_space<vmem>> -> memref<1x128x128xf32, #tpu.memory_space<vmem>>
        %dma_start3A_112 = tpu.memref_squeeze %dma_start3A_111 : memref<1x128x128xf32, #tpu.memory_space<vmem>> -> memref<128x128xf32, #tpu.memory_space<vmem>>
        %dma_start3A_113 = arith.constant 0 : i32
        %dma_start3A_114 = tpu.memref_slice %arg7[%add3A_102, %dma_start3A_113] : memref<40x128xi32, #tpu.memory_space<vmem>> -> memref<1x128xi32, #tpu.memory_space<vmem>>
        %dma_start3A_115 = tpu.memref_squeeze %dma_start3A_114 : memref<1x128xi32, #tpu.memory_space<vmem>> -> memref<128xi32, #tpu.memory_space<vmem>>
        %dma_start3A_116 = arith.constant 0 : i32
        %dma_start3A_117 = arith.constant 0 : i32
        %dma_start3A_118 = tpu.memref_slice %arg2[%dma_start3A_116, %dma_start3A_117] : memref<10000x128xf32, #tpu.memory_space<hbm>> -> memref<10000x128xf32, #tpu.memory_space<hbm>>
        tpu.enqueue_indirect_dma source(%dma_start3A_118 : memref<10000x128xf32, #tpu.memory_space<hbm>>) target(%dma_start3A_112 : memref<128x128xf32, #tpu.memory_space<vmem>>) offsets(%dma_start3A_115 : memref<128xi32, #tpu.memory_space<vmem>>) semaphore(%arg12 : memref<!tpu.dma_semaphore, #tpu.memory_space<semaphore_mem>>)
      } else {
      }
    }
    %scan3A_60 = arith.constant 20 : i32
    %barrier3A_61 = arith.constant 0 : index
    tpu.barrier barrier_id(%barrier3A_61)
    %mul3A_62 = arith.constant 632 : i32
    %mul3A_63 = arith.muli %arg1, %mul3A_62 : i32
    %mul3A_64 = arith.constant 632 : i32
    %mul3A_65 = arith.muli %arg1, %mul3A_64 : i32
    "tpu.region"() ({
      %run_scoped3A = tpu.sem_alloc : memref<!tpu.dma_semaphore, #tpu.memory_space<semaphore_mem>>
      %dma_start3A_66 = arith.constant 0 : i32
      %dma_start3A_67 = tpu.memref_slice %arg6[%arg0, %mul3A_65, %dma_start3A_66] : memref<2x10112x128xf32, #tpu.memory_space<hbm>> -> memref<1x632x128xf32, #tpu.memory_space<hbm>>
      %dma_start3A_68 = tpu.memref_squeeze %dma_start3A_67 : memref<1x632x128xf32, #tpu.memory_space<hbm>> -> memref<632x128xf32, #tpu.memory_space<hbm>>
      %dma_start3A_69 = arith.constant 0 : i32
      %dma_start3A_70 = tpu.memref_slice %arg10[%mul3A_63, %dma_start3A_69] : memref<10112x128xf32, #tpu.memory_space<vmem_shared>> -> memref<632x128xf32, #tpu.memory_space<vmem_shared>>
      tpu.enqueue_dma source(%dma_start3A_70 : memref<632x128xf32, #tpu.memory_space<vmem_shared>>) target(%dma_start3A_68 : memref<632x128xf32, #tpu.memory_space<hbm>>) target_semaphore(%run_scoped3A : memref<!tpu.dma_semaphore, #tpu.memory_space<semaphore_mem>>)
      %dma_wait3A = arith.constant 0 : i32
      %dma_wait3A_71 = tpu.memref_slice %arg6[%arg0, %mul3A_65, %dma_wait3A] : memref<2x10112x128xf32, #tpu.memory_space<hbm>> -> memref<1x632x128xf32, #tpu.memory_space<hbm>>
      %dma_wait3A_72 = tpu.memref_squeeze %dma_wait3A_71 : memref<1x632x128xf32, #tpu.memory_space<hbm>> -> memref<632x128xf32, #tpu.memory_space<hbm>>
      %dma_wait3A_73 = arith.constant 0 : i32
      %dma_wait3A_74 = tpu.memref_slice %arg10[%mul3A_63, %dma_wait3A_73] : memref<10112x128xf32, #tpu.memory_space<vmem_shared>> -> memref<632x128xf32, #tpu.memory_space<vmem_shared>>
      tpu.wait_dma2 semaphore(%run_scoped3A : memref<!tpu.dma_semaphore, #tpu.memory_space<semaphore_mem>>) src(%dma_wait3A_74 : memref<632x128xf32, #tpu.memory_space<vmem_shared>>) dst(%dma_wait3A_72 : memref<632x128xf32, #tpu.memory_space<hbm>>)
      tpu.yield
    }) : () -> ()
    return
  }
}

#map = affine_map<(d0, d1) -> (0, 0)>
#map1 = affine_map<(d0, d1) -> (0, 0, 0)>
module attributes {stable_mosaic.version = 14 : i64} {
  func.func @run(%arg0: i32, %arg1: i32, %arg2: memref<10000x128xf32, #tpu.memory_space<hbm>>, %arg3: memref<32x80x128xi32, #tpu.memory_space<hbm>>, %arg4: memref<32x80x128xi32, #tpu.memory_space<hbm>>, %arg5: memref<632x128xf32, #tpu.memory_space<hbm>>, %arg6: memref<2x10112x128xf32, #tpu.memory_space<hbm>>, %arg7: memref<40x128xi32, #tpu.memory_space<vmem>>, %arg8: memref<40x128xi32, #tpu.memory_space<vmem>>, %arg9: memref<2x128x128xf32, #tpu.memory_space<vmem>>, %arg10: memref<10112x128xf32, #tpu.memory_space<vmem_shared>>, %arg11: memref<!tpu.dma_semaphore, #tpu.memory_space<semaphore_mem>>, %arg12: memref<!tpu.dma_semaphore, #tpu.memory_space<semaphore_mem>>) attributes {dimension_semantics = [#tpu.dimension_semantics<core_parallel>, #tpu.dimension_semantics<subcore_parallel>], iteration_bounds = array<i64: 2, 16>, scalar_prefetch = 0 : i64, scratch_operands = 6 : i64, tpu.core_type = #tpu.core_type<sc_vector_subcore>, window_params = [{transform_indices = #map}, {transform_indices = #map1}, {transform_indices = #map1}, {transform_indices = #map}, {transform_indices = #map1}]} {
    %mul3A = arith.constant 16 : i32
    %mul3A_0 = arith.muli %arg0, %mul3A : i32
    %add3A = arith.addi %mul3A_0, %arg1 : i32
    %mul3A_1 = arith.constant 632 : i32
    %mul3A_2 = arith.muli %arg1, %mul3A_1 : i32
    "tpu.region"() ({
      %run_scoped3A = tpu.sem_alloc : memref<!tpu.dma_semaphore, #tpu.memory_space<semaphore_mem>>
      %dma_start3A_66 = arith.constant 0 : i32
      %dma_start3A_67 = tpu.memref_slice %arg10[%mul3A_2, %dma_start3A_66] : memref<10112x128xf32, #tpu.memory_space<vmem_shared>> -> memref<632x128xf32, #tpu.memory_space<vmem_shared>>
      tpu.enqueue_dma source(%arg5 : memref<632x128xf32, #tpu.memory_space<hbm>>) target(%dma_start3A_67 : memref<632x128xf32, #tpu.memory_space<vmem_shared>>) target_semaphore(%run_scoped3A : memref<!tpu.dma_semaphore, #tpu.memory_space<semaphore_mem>>)
      %dma_wait3A = arith.constant 0 : i32
      %dma_wait3A_68 = tpu.memref_slice %arg10[%mul3A_2, %dma_wait3A] : memref<10112x128xf32, #tpu.memory_space<vmem_shared>> -> memref<632x128xf32, #tpu.memory_space<vmem_shared>>
      tpu.wait_dma2 semaphore(%run_scoped3A : memref<!tpu.dma_semaphore, #tpu.memory_space<semaphore_mem>>) src(%arg5 : memref<632x128xf32, #tpu.memory_space<hbm>>) dst(%dma_wait3A_68 : memref<632x128xf32, #tpu.memory_space<vmem_shared>>)
      tpu.yield
    }) : () -> ()
    %barrier3A = arith.constant 0 : index
    tpu.barrier barrier_id(%barrier3A)
    "tpu.region"() ({
      %run_scoped3A = tpu.sem_alloc : memref<!tpu.dma_semaphore, #tpu.memory_space<semaphore_mem>>
      %dma_start3A_66 = arith.constant 0 : i32
      %dma_start3A_67 = arith.constant 0 : i32
      %dma_start3A_68 = tpu.memref_slice %arg3[%add3A, %dma_start3A_66, %dma_start3A_67] : memref<32x80x128xi32, #tpu.memory_space<hbm>> -> memref<1x40x128xi32, #tpu.memory_space<hbm>>
      %dma_start3A_69 = tpu.memref_squeeze %dma_start3A_68 : memref<1x40x128xi32, #tpu.memory_space<hbm>> -> memref<40x128xi32, #tpu.memory_space<hbm>>
      %dma_start3A_70 = arith.constant 0 : i32
      %dma_start3A_71 = arith.constant 0 : i32
      %dma_start3A_72 = tpu.memref_slice %arg3[%add3A, %dma_start3A_70, %dma_start3A_71] : memref<32x80x128xi32, #tpu.memory_space<hbm>> -> memref<1x40x128xi32, #tpu.memory_space<hbm>>
      %dma_start3A_73 = tpu.memref_squeeze %dma_start3A_72 : memref<1x40x128xi32, #tpu.memory_space<hbm>> -> memref<40x128xi32, #tpu.memory_space<hbm>>
      tpu.enqueue_dma source(%dma_start3A_73 : memref<40x128xi32, #tpu.memory_space<hbm>>) target(%arg7 : memref<40x128xi32, #tpu.memory_space<vmem>>) target_semaphore(%run_scoped3A : memref<!tpu.dma_semaphore, #tpu.memory_space<semaphore_mem>>)
      %dma_wait3A = arith.constant 0 : i32
      %dma_wait3A_74 = arith.constant 0 : i32
      %dma_wait3A_75 = tpu.memref_slice %arg3[%add3A, %dma_wait3A, %dma_wait3A_74] : memref<32x80x128xi32, #tpu.memory_space<hbm>> -> memref<1x40x128xi32, #tpu.memory_space<hbm>>
      %dma_wait3A_76 = tpu.memref_squeeze %dma_wait3A_75 : memref<1x40x128xi32, #tpu.memory_space<hbm>> -> memref<40x128xi32, #tpu.memory_space<hbm>>
      %dma_wait3A_77 = arith.constant 0 : i32
      %dma_wait3A_78 = arith.constant 0 : i32
      %dma_wait3A_79 = tpu.memref_slice %arg3[%add3A, %dma_wait3A_77, %dma_wait3A_78] : memref<32x80x128xi32, #tpu.memory_space<hbm>> -> memref<1x40x128xi32, #tpu.memory_space<hbm>>
      %dma_wait3A_80 = tpu.memref_squeeze %dma_wait3A_79 : memref<1x40x128xi32, #tpu.memory_space<hbm>> -> memref<40x128xi32, #tpu.memory_space<hbm>>
      tpu.wait_dma2 semaphore(%run_scoped3A : memref<!tpu.dma_semaphore, #tpu.memory_space<semaphore_mem>>) src(%dma_wait3A_80 : memref<40x128xi32, #tpu.memory_space<hbm>>) dst(%arg7 : memref<40x128xi32, #tpu.memory_space<vmem>>)
      tpu.yield
    }) : () -> ()
    "tpu.region"() ({
      %run_scoped3A = tpu.sem_alloc : memref<!tpu.dma_semaphore, #tpu.memory_space<semaphore_mem>>
      %dma_start3A_66 = arith.constant 0 : i32
      %dma_start3A_67 = arith.constant 0 : i32
      %dma_start3A_68 = tpu.memref_slice %arg4[%add3A, %dma_start3A_66, %dma_start3A_67] : memref<32x80x128xi32, #tpu.memory_space<hbm>> -> memref<1x40x128xi32, #tpu.memory_space<hbm>>
      %dma_start3A_69 = tpu.memref_squeeze %dma_start3A_68 : memref<1x40x128xi32, #tpu.memory_space<hbm>> -> memref<40x128xi32, #tpu.memory_space<hbm>>
      %dma_start3A_70 = arith.constant 0 : i32
      %dma_start3A_71 = arith.constant 0 : i32
      %dma_start3A_72 = tpu.memref_slice %arg4[%add3A, %dma_start3A_70, %dma_start3A_71] : memref<32x80x128xi32, #tpu.memory_space<hbm>> -> memref<1x40x128xi32, #tpu.memory_space<hbm>>
      %dma_start3A_73 = tpu.memref_squeeze %dma_start3A_72 : memref<1x40x128xi32, #tpu.memory_space<hbm>> -> memref<40x128xi32, #tpu.memory_space<hbm>>
      tpu.enqueue_dma source(%dma_start3A_73 : memref<40x128xi32, #tpu.memory_space<hbm>>) target(%arg8 : memref<40x128xi32, #tpu.memory_space<vmem>>) target_semaphore(%run_scoped3A : memref<!tpu.dma_semaphore, #tpu.memory_space<semaphore_mem>>)
      %dma_wait3A = arith.constant 0 : i32
      %dma_wait3A_74 = arith.constant 0 : i32
      %dma_wait3A_75 = tpu.memref_slice %arg4[%add3A, %dma_wait3A, %dma_wait3A_74] : memref<32x80x128xi32, #tpu.memory_space<hbm>> -> memref<1x40x128xi32, #tpu.memory_space<hbm>>
      %dma_wait3A_76 = tpu.memref_squeeze %dma_wait3A_75 : memref<1x40x128xi32, #tpu.memory_space<hbm>> -> memref<40x128xi32, #tpu.memory_space<hbm>>
      %dma_wait3A_77 = arith.constant 0 : i32
      %dma_wait3A_78 = arith.constant 0 : i32
      %dma_wait3A_79 = tpu.memref_slice %arg4[%add3A, %dma_wait3A_77, %dma_wait3A_78] : memref<32x80x128xi32, #tpu.memory_space<hbm>> -> memref<1x40x128xi32, #tpu.memory_space<hbm>>
      %dma_wait3A_80 = tpu.memref_squeeze %dma_wait3A_79 : memref<1x40x128xi32, #tpu.memory_space<hbm>> -> memref<40x128xi32, #tpu.memory_space<hbm>>
      tpu.wait_dma2 semaphore(%run_scoped3A : memref<!tpu.dma_semaphore, #tpu.memory_space<semaphore_mem>>) src(%dma_wait3A_80 : memref<40x128xi32, #tpu.memory_space<hbm>>) dst(%arg8 : memref<40x128xi32, #tpu.memory_space<vmem>>)
      tpu.yield
    }) : () -> ()
    %dma_start3A = arith.constant 0 : i32
    %dma_start3A_3 = arith.constant 0 : i32
    %dma_start3A_4 = arith.constant 0 : i32
    %dma_start3A_5 = arith.constant 0 : i32
    %dma_start3A_6 = tpu.memref_slice %arg9[%dma_start3A_3, %dma_start3A_4, %dma_start3A_5] : memref<2x128x128xf32, #tpu.memory_space<vmem>> -> memref<1x128x128xf32, #tpu.memory_space<vmem>>
    %dma_start3A_7 = tpu.memref_squeeze %dma_start3A_6 : memref<1x128x128xf32, #tpu.memory_space<vmem>> -> memref<128x128xf32, #tpu.memory_space<vmem>>
    %dma_start3A_8 = arith.constant 0 : i32
    %dma_start3A_9 = tpu.memref_slice %arg7[%dma_start3A, %dma_start3A_8] : memref<40x128xi32, #tpu.memory_space<vmem>> -> memref<1x128xi32, #tpu.memory_space<vmem>>
    %dma_start3A_10 = tpu.memref_squeeze %dma_start3A_9 : memref<1x128xi32, #tpu.memory_space<vmem>> -> memref<128xi32, #tpu.memory_space<vmem>>
    %dma_start3A_11 = arith.constant 0 : i32
    %dma_start3A_12 = arith.constant 0 : i32
    %dma_start3A_13 = tpu.memref_slice %arg2[%dma_start3A_11, %dma_start3A_12] : memref<10000x128xf32, #tpu.memory_space<hbm>> -> memref<10000x128xf32, #tpu.memory_space<hbm>>
    tpu.enqueue_indirect_dma source(%dma_start3A_13 : memref<10000x128xf32, #tpu.memory_space<hbm>>) target(%dma_start3A_7 : memref<128x128xf32, #tpu.memory_space<vmem>>) offsets(%dma_start3A_10 : memref<128xi32, #tpu.memory_space<vmem>>) semaphore(%arg11 : memref<!tpu.dma_semaphore, #tpu.memory_space<semaphore_mem>>)
    %dma_start3A_14 = arith.constant 1 : i32
    %dma_start3A_15 = arith.constant 1 : i32
    %dma_start3A_16 = arith.constant 0 : i32
    %dma_start3A_17 = arith.constant 0 : i32
    %dma_start3A_18 = tpu.memref_slice %arg9[%dma_start3A_15, %dma_start3A_16, %dma_start3A_17] : memref<2x128x128xf32, #tpu.memory_space<vmem>> -> memref<1x128x128xf32, #tpu.memory_space<vmem>>
    %dma_start3A_19 = tpu.memref_squeeze %dma_start3A_18 : memref<1x128x128xf32, #tpu.memory_space<vmem>> -> memref<128x128xf32, #tpu.memory_space<vmem>>
    %dma_start3A_20 = arith.constant 0 : i32
    %dma_start3A_21 = tpu.memref_slice %arg7[%dma_start3A_14, %dma_start3A_20] : memref<40x128xi32, #tpu.memory_space<vmem>> -> memref<1x128xi32, #tpu.memory_space<vmem>>
    %dma_start3A_22 = tpu.memref_squeeze %dma_start3A_21 : memref<1x128xi32, #tpu.memory_space<vmem>> -> memref<128xi32, #tpu.memory_space<vmem>>
    %dma_start3A_23 = arith.constant 0 : i32
    %dma_start3A_24 = arith.constant 0 : i32
    %dma_start3A_25 = tpu.memref_slice %arg2[%dma_start3A_23, %dma_start3A_24] : memref<10000x128xf32, #tpu.memory_space<hbm>> -> memref<10000x128xf32, #tpu.memory_space<hbm>>
    tpu.enqueue_indirect_dma source(%dma_start3A_25 : memref<10000x128xf32, #tpu.memory_space<hbm>>) target(%dma_start3A_19 : memref<128x128xf32, #tpu.memory_space<vmem>>) offsets(%dma_start3A_22 : memref<128xi32, #tpu.memory_space<vmem>>) semaphore(%arg12 : memref<!tpu.dma_semaphore, #tpu.memory_space<semaphore_mem>>)
    %scan3A = arith.constant 0 : i32
    %scan3A_26 = arith.constant 0 : i32
    %scan3A_27 = arith.constant 20 : i32
    %scan3A_28 = arith.addi %scan3A_26, %scan3A_27 : i32
    %scan3A_29 = arith.constant 1 : i32
    scf.for %scan3A_66 = %scan3A_26 to %scan3A_28 step %scan3A_29  : i32 {
      %mul3A_67 = arith.constant 2 : i32
      %mul3A_68 = arith.muli %scan3A_66, %mul3A_67 : i32
      %add3A_69 = arith.constant 0 : i32
      %add3A_70 = arith.addi %mul3A_68, %add3A_69 : i32
      %dma_wait3A = arith.constant 0 : i32
      %dma_wait3A_71 = arith.constant 0 : i32
      %dma_wait3A_72 = arith.constant 0 : i32
      %dma_wait3A_73 = tpu.memref_slice %arg9[%dma_wait3A, %dma_wait3A_71, %dma_wait3A_72] : memref<2x128x128xf32, #tpu.memory_space<vmem>> -> memref<1x128x128xf32, #tpu.memory_space<vmem>>
      %dma_wait3A_74 = tpu.memref_squeeze %dma_wait3A_73 : memref<1x128x128xf32, #tpu.memory_space<vmem>> -> memref<128x128xf32, #tpu.memory_space<vmem>>
      %dma_wait3A_75 = arith.constant 0 : i32
      %dma_wait3A_76 = tpu.memref_slice %arg7[%add3A_70, %dma_wait3A_75] : memref<40x128xi32, #tpu.memory_space<vmem>> -> memref<1x128xi32, #tpu.memory_space<vmem>>
      %dma_wait3A_77 = tpu.memref_squeeze %dma_wait3A_76 : memref<1x128xi32, #tpu.memory_space<vmem>> -> memref<128xi32, #tpu.memory_space<vmem>>
      %dma_wait3A_78 = arith.constant 0 : i32
      %dma_wait3A_79 = arith.constant 0 : i32
      %dma_wait3A_80 = tpu.memref_slice %arg2[%dma_wait3A_78, %dma_wait3A_79] : memref<10000x128xf32, #tpu.memory_space<hbm>> -> memref<10000x128xf32, #tpu.memory_space<hbm>>
      tpu.wait_indirect_dma semaphore(%arg11 : memref<!tpu.dma_semaphore, #tpu.memory_space<semaphore_mem>>) src(%dma_wait3A_80 : memref<10000x128xf32, #tpu.memory_space<hbm>>) dst(%dma_wait3A_74 : memref<128x128xf32, #tpu.memory_space<vmem>>)
      %run_scoped3A = arith.constant 0 : i32
      "tpu.region"() ({
        %run_scoped3A_108 = tpu.sem_alloc : memref<!tpu.dma_semaphore, #tpu.memory_space<semaphore_mem>>
        %dma_start3A_109 = arith.constant 0 : i32
        %dma_start3A_110 = arith.constant 0 : i32
        %dma_start3A_111 = tpu.memref_slice %arg9[%run_scoped3A, %dma_start3A_109, %dma_start3A_110] : memref<2x128x128xf32, #tpu.memory_space<vmem>> -> memref<1x128x128xf32, #tpu.memory_space<vmem>>
        %dma_start3A_112 = tpu.memref_squeeze %dma_start3A_111 : memref<1x128x128xf32, #tpu.memory_space<vmem>> -> memref<128x128xf32, #tpu.memory_space<vmem>>
        %dma_start3A_113 = arith.constant 0 : i32
        %dma_start3A_114 = tpu.memref_slice %arg8[%add3A_70, %dma_start3A_113] : memref<40x128xi32, #tpu.memory_space<vmem>> -> memref<1x128xi32, #tpu.memory_space<vmem>>
        %dma_start3A_115 = tpu.memref_squeeze %dma_start3A_114 : memref<1x128xi32, #tpu.memory_space<vmem>> -> memref<128xi32, #tpu.memory_space<vmem>>
        %dma_start3A_116 = arith.constant 0 : i32
        %dma_start3A_117 = arith.constant 0 : i32
        %dma_start3A_118 = tpu.memref_slice %arg10[%dma_start3A_116, %dma_start3A_117] : memref<10112x128xf32, #tpu.memory_space<vmem_shared>> -> memref<10112x128xf32, #tpu.memory_space<vmem_shared>>
        tpu.enqueue_indirect_dma source(%dma_start3A_112 : memref<128x128xf32, #tpu.memory_space<vmem>>) target(%dma_start3A_118 : memref<10112x128xf32, #tpu.memory_space<vmem_shared>>) offsets(%dma_start3A_115 : memref<128xi32, #tpu.memory_space<vmem>>) semaphore(%run_scoped3A_108 : memref<!tpu.dma_semaphore, #tpu.memory_space<semaphore_mem>>) {add = true}
        %dma_wait3A_119 = arith.constant 0 : i32
        %dma_wait3A_120 = arith.constant 0 : i32
        %dma_wait3A_121 = tpu.memref_slice %arg9[%run_scoped3A, %dma_wait3A_119, %dma_wait3A_120] : memref<2x128x128xf32, #tpu.memory_space<vmem>> -> memref<1x128x128xf32, #tpu.memory_space<vmem>>
        %dma_wait3A_122 = tpu.memref_squeeze %dma_wait3A_121 : memref<1x128x128xf32, #tpu.memory_space<vmem>> -> memref<128x128xf32, #tpu.memory_space<vmem>>
        %dma_wait3A_123 = arith.constant 0 : i32
        %dma_wait3A_124 = tpu.memref_slice %arg8[%add3A_70, %dma_wait3A_123] : memref<40x128xi32, #tpu.memory_space<vmem>> -> memref<1x128xi32, #tpu.memory_space<vmem>>
        %dma_wait3A_125 = tpu.memref_squeeze %dma_wait3A_124 : memref<1x128xi32, #tpu.memory_space<vmem>> -> memref<128xi32, #tpu.memory_space<vmem>>
        %dma_wait3A_126 = arith.constant 0 : i32
        %dma_wait3A_127 = arith.constant 0 : i32
        %dma_wait3A_128 = tpu.memref_slice %arg10[%dma_wait3A_126, %dma_wait3A_127] : memref<10112x128xf32, #tpu.memory_space<vmem_shared>> -> memref<10112x128xf32, #tpu.memory_space<vmem_shared>>
        tpu.wait_indirect_dma semaphore(%run_scoped3A_108 : memref<!tpu.dma_semaphore, #tpu.memory_space<semaphore_mem>>) src(%dma_wait3A_122 : memref<128x128xf32, #tpu.memory_space<vmem>>) dst(%dma_wait3A_128 : memref<10112x128xf32, #tpu.memory_space<vmem_shared>>)
        tpu.yield
      }) : () -> ()
      %add3A_81 = arith.constant 2 : i32
      %add3A_82 = arith.addi %add3A_70, %add3A_81 : i32
      %lt3A = arith.constant 40 : i32
      %lt3A_83 = arith.cmpi slt, %add3A_82, %lt3A : i32
      %convert_element_type3A = arith.extui %lt3A_83 : i1 to i32
      %cond3A = arith.constant 0 : i32
      %cond3A_84 = arith.cmpi ne, %convert_element_type3A, %cond3A : i32
      scf.if %cond3A_84 {
        %dma_start3A_108 = arith.constant 0 : i32
        %dma_start3A_109 = arith.constant 0 : i32
        %dma_start3A_110 = arith.constant 0 : i32
        %dma_start3A_111 = tpu.memref_slice %arg9[%dma_start3A_108, %dma_start3A_109, %dma_start3A_110] : memref<2x128x128xf32, #tpu.memory_space<vmem>> -> memref<1x128x128xf32, #tpu.memory_space<vmem>>
        %dma_start3A_112 = tpu.memref_squeeze %dma_start3A_111 : memref<1x128x128xf32, #tpu.memory_space<vmem>> -> memref<128x128xf32, #tpu.memory_space<vmem>>
        %dma_start3A_113 = arith.constant 0 : i32
        %dma_start3A_114 = tpu.memref_slice %arg7[%add3A_82, %dma_start3A_113] : memref<40x128xi32, #tpu.memory_space<vmem>> -> memref<1x128xi32, #tpu.memory_space<vmem>>
        %dma_start3A_115 = tpu.memref_squeeze %dma_start3A_114 : memref<1x128xi32, #tpu.memory_space<vmem>> -> memref<128xi32, #tpu.memory_space<vmem>>
        %dma_start3A_116 = arith.constant 0 : i32
        %dma_start3A_117 = arith.constant 0 : i32
        %dma_start3A_118 = tpu.memref_slice %arg2[%dma_start3A_116, %dma_start3A_117] : memref<10000x128xf32, #tpu.memory_space<hbm>> -> memref<10000x128xf32, #tpu.memory_space<hbm>>
        tpu.enqueue_indirect_dma source(%dma_start3A_118 : memref<10000x128xf32, #tpu.memory_space<hbm>>) target(%dma_start3A_112 : memref<128x128xf32, #tpu.memory_space<vmem>>) offsets(%dma_start3A_115 : memref<128xi32, #tpu.memory_space<vmem>>) semaphore(%arg11 : memref<!tpu.dma_semaphore, #tpu.memory_space<semaphore_mem>>)
      } else {
      }
      %mul3A_85 = arith.constant 2 : i32
      %mul3A_86 = arith.muli %scan3A_66, %mul3A_85 : i32
      %add3A_87 = arith.constant 1 : i32
      %add3A_88 = arith.addi %mul3A_86, %add3A_87 : i32
      %dma_wait3A_89 = arith.constant 1 : i32
      %dma_wait3A_90 = arith.constant 0 : i32
      %dma_wait3A_91 = arith.constant 0 : i32
      %dma_wait3A_92 = tpu.memref_slice %arg9[%dma_wait3A_89, %dma_wait3A_90, %dma_wait3A_91] : memref<2x128x128xf32, #tpu.memory_space<vmem>> -> memref<1x128x128xf32, #tpu.memory_space<vmem>>
      %dma_wait3A_93 = tpu.memref_squeeze %dma_wait3A_92 : memref<1x128x128xf32, #tpu.memory_space<vmem>> -> memref<128x128xf32, #tpu.memory_space<vmem>>
      %dma_wait3A_94 = arith.constant 0 : i32
      %dma_wait3A_95 = tpu.memref_slice %arg7[%add3A_88, %dma_wait3A_94] : memref<40x128xi32, #tpu.memory_space<vmem>> -> memref<1x128xi32, #tpu.memory_space<vmem>>
      %dma_wait3A_96 = tpu.memref_squeeze %dma_wait3A_95 : memref<1x128xi32, #tpu.memory_space<vmem>> -> memref<128xi32, #tpu.memory_space<vmem>>
      %dma_wait3A_97 = arith.constant 0 : i32
      %dma_wait3A_98 = arith.constant 0 : i32
      %dma_wait3A_99 = tpu.memref_slice %arg2[%dma_wait3A_97, %dma_wait3A_98] : memref<10000x128xf32, #tpu.memory_space<hbm>> -> memref<10000x128xf32, #tpu.memory_space<hbm>>
      tpu.wait_indirect_dma semaphore(%arg12 : memref<!tpu.dma_semaphore, #tpu.memory_space<semaphore_mem>>) src(%dma_wait3A_99 : memref<10000x128xf32, #tpu.memory_space<hbm>>) dst(%dma_wait3A_93 : memref<128x128xf32, #tpu.memory_space<vmem>>)
      %run_scoped3A_100 = arith.constant 1 : i32
      "tpu.region"() ({
        %run_scoped3A_108 = tpu.sem_alloc : memref<!tpu.dma_semaphore, #tpu.memory_space<semaphore_mem>>
        %dma_start3A_109 = arith.constant 0 : i32
        %dma_start3A_110 = arith.constant 0 : i32
        %dma_start3A_111 = tpu.memref_slice %arg9[%run_scoped3A_100, %dma_start3A_109, %dma_start3A_110] : memref<2x128x128xf32, #tpu.memory_space<vmem>> -> memref<1x128x128xf32, #tpu.memory_space<vmem>>
        %dma_start3A_112 = tpu.memref_squeeze %dma_start3A_111 : memref<1x128x128xf32, #tpu.memory_space<vmem>> -> memref<128x128xf32, #tpu.memory_space<vmem>>
        %dma_start3A_113 = arith.constant 0 : i32
        %dma_start3A_114 = tpu.memref_slice %arg8[%add3A_88, %dma_start3A_113] : memref<40x128xi32, #tpu.memory_space<vmem>> -> memref<1x128xi32, #tpu.memory_space<vmem>>
        %dma_start3A_115 = tpu.memref_squeeze %dma_start3A_114 : memref<1x128xi32, #tpu.memory_space<vmem>> -> memref<128xi32, #tpu.memory_space<vmem>>
        %dma_start3A_116 = arith.constant 0 : i32
        %dma_start3A_117 = arith.constant 0 : i32
        %dma_start3A_118 = tpu.memref_slice %arg10[%dma_start3A_116, %dma_start3A_117] : memref<10112x128xf32, #tpu.memory_space<vmem_shared>> -> memref<10112x128xf32, #tpu.memory_space<vmem_shared>>
        tpu.enqueue_indirect_dma source(%dma_start3A_112 : memref<128x128xf32, #tpu.memory_space<vmem>>) target(%dma_start3A_118 : memref<10112x128xf32, #tpu.memory_space<vmem_shared>>) offsets(%dma_start3A_115 : memref<128xi32, #tpu.memory_space<vmem>>) semaphore(%run_scoped3A_108 : memref<!tpu.dma_semaphore, #tpu.memory_space<semaphore_mem>>) {add = true}
        %dma_wait3A_119 = arith.constant 0 : i32
        %dma_wait3A_120 = arith.constant 0 : i32
        %dma_wait3A_121 = tpu.memref_slice %arg9[%run_scoped3A_100, %dma_wait3A_119, %dma_wait3A_120] : memref<2x128x128xf32, #tpu.memory_space<vmem>> -> memref<1x128x128xf32, #tpu.memory_space<vmem>>
        %dma_wait3A_122 = tpu.memref_squeeze %dma_wait3A_121 : memref<1x128x128xf32, #tpu.memory_space<vmem>> -> memref<128x128xf32, #tpu.memory_space<vmem>>
        %dma_wait3A_123 = arith.constant 0 : i32
        %dma_wait3A_124 = tpu.memref_slice %arg8[%add3A_88, %dma_wait3A_123] : memref<40x128xi32, #tpu.memory_space<vmem>> -> memref<1x128xi32, #tpu.memory_space<vmem>>
        %dma_wait3A_125 = tpu.memref_squeeze %dma_wait3A_124 : memref<1x128xi32, #tpu.memory_space<vmem>> -> memref<128xi32, #tpu.memory_space<vmem>>
        %dma_wait3A_126 = arith.constant 0 : i32
        %dma_wait3A_127 = arith.constant 0 : i32
        %dma_wait3A_128 = tpu.memref_slice %arg10[%dma_wait3A_126, %dma_wait3A_127] : memref<10112x128xf32, #tpu.memory_space<vmem_shared>> -> memref<10112x128xf32, #tpu.memory_space<vmem_shared>>
        tpu.wait_indirect_dma semaphore(%run_scoped3A_108 : memref<!tpu.dma_semaphore, #tpu.memory_space<semaphore_mem>>) src(%dma_wait3A_122 : memref<128x128xf32, #tpu.memory_space<vmem>>) dst(%dma_wait3A_128 : memref<10112x128xf32, #tpu.memory_space<vmem_shared>>)
        tpu.yield
      }) : () -> ()
      %add3A_101 = arith.constant 2 : i32
      %add3A_102 = arith.addi %add3A_88, %add3A_101 : i32
      %lt3A_103 = arith.constant 40 : i32
      %lt3A_104 = arith.cmpi slt, %add3A_102, %lt3A_103 : i32
      %convert_element_type3A_105 = arith.extui %lt3A_104 : i1 to i32
      %cond3A_106 = arith.constant 0 : i32
      %cond3A_107 = arith.cmpi ne, %convert_element_type3A_105, %cond3A_106 : i32
      scf.if %cond3A_107 {
        %dma_start3A_108 = arith.constant 1 : i32
        %dma_start3A_109 = arith.constant 0 : i32
        %dma_start3A_110 = arith.constant 0 : i32
        %dma_start3A_111 = tpu.memref_slice %arg9[%dma_start3A_108, %dma_start3A_109, %dma_start3A_110] : memref<2x128x128xf32, #tpu.memory_space<vmem>> -> memref<1x128x128xf32, #tpu.memory_space<vmem>>
        %dma_start3A_112 = tpu.memref_squeeze %dma_start3A_111 : memref<1x128x128xf32, #tpu.memory_space<vmem>> -> memref<128x128xf32, #tpu.memory_space<vmem>>
        %dma_start3A_113 = arith.constant 0 : i32
        %dma_start3A_114 = tpu.memref_slice %arg7[%add3A_102, %dma_start3A_113] : memref<40x128xi32, #tpu.memory_space<vmem>> -> memref<1x128xi32, #tpu.memory_space<vmem>>
        %dma_start3A_115 = tpu.memref_squeeze %dma_start3A_114 : memref<1x128xi32, #tpu.memory_space<vmem>> -> memref<128xi32, #tpu.memory_space<vmem>>
        %dma_start3A_116 = arith.constant 0 : i32
        %dma_start3A_117 = arith.constant 0 : i32
        %dma_start3A_118 = tpu.memref_slice %arg2[%dma_start3A_116, %dma_start3A_117] : memref<10000x128xf32, #tpu.memory_space<hbm>> -> memref<10000x128xf32, #tpu.memory_space<hbm>>
        tpu.enqueue_indirect_dma source(%dma_start3A_118 : memref<10000x128xf32, #tpu.memory_space<hbm>>) target(%dma_start3A_112 : memref<128x128xf32, #tpu.memory_space<vmem>>) offsets(%dma_start3A_115 : memref<128xi32, #tpu.memory_space<vmem>>) semaphore(%arg12 : memref<!tpu.dma_semaphore, #tpu.memory_space<semaphore_mem>>)
      } else {
      }
    }
    %scan3A_30 = arith.constant 20 : i32
    "tpu.region"() ({
      %run_scoped3A = tpu.sem_alloc : memref<!tpu.dma_semaphore, #tpu.memory_space<semaphore_mem>>
      %dma_start3A_66 = arith.constant 40 : i32
      %dma_start3A_67 = arith.constant 0 : i32
      %dma_start3A_68 = tpu.memref_slice %arg3[%add3A, %dma_start3A_66, %dma_start3A_67] : memref<32x80x128xi32, #tpu.memory_space<hbm>> -> memref<1x40x128xi32, #tpu.memory_space<hbm>>
      %dma_start3A_69 = tpu.memref_squeeze %dma_start3A_68 : memref<1x40x128xi32, #tpu.memory_space<hbm>> -> memref<40x128xi32, #tpu.memory_space<hbm>>
      %dma_start3A_70 = arith.constant 40 : i32
      %dma_start3A_71 = arith.constant 0 : i32
      %dma_start3A_72 = tpu.memref_slice %arg3[%add3A, %dma_start3A_70, %dma_start3A_71] : memref<32x80x128xi32, #tpu.memory_space<hbm>> -> memref<1x40x128xi32, #tpu.memory_space<hbm>>
      %dma_start3A_73 = tpu.memref_squeeze %dma_start3A_72 : memref<1x40x128xi32, #tpu.memory_space<hbm>> -> memref<40x128xi32, #tpu.memory_space<hbm>>
      tpu.enqueue_dma source(%dma_start3A_73 : memref<40x128xi32, #tpu.memory_space<hbm>>) target(%arg7 : memref<40x128xi32, #tpu.memory_space<vmem>>) target_semaphore(%run_scoped3A : memref<!tpu.dma_semaphore, #tpu.memory_space<semaphore_mem>>)
      %dma_wait3A = arith.constant 40 : i32
      %dma_wait3A_74 = arith.constant 0 : i32
      %dma_wait3A_75 = tpu.memref_slice %arg3[%add3A, %dma_wait3A, %dma_wait3A_74] : memref<32x80x128xi32, #tpu.memory_space<hbm>> -> memref<1x40x128xi32, #tpu.memory_space<hbm>>
      %dma_wait3A_76 = tpu.memref_squeeze %dma_wait3A_75 : memref<1x40x128xi32, #tpu.memory_space<hbm>> -> memref<40x128xi32, #tpu.memory_space<hbm>>
      %dma_wait3A_77 = arith.constant 40 : i32
      %dma_wait3A_78 = arith.constant 0 : i32
      %dma_wait3A_79 = tpu.memref_slice %arg3[%add3A, %dma_wait3A_77, %dma_wait3A_78] : memref<32x80x128xi32, #tpu.memory_space<hbm>> -> memref<1x40x128xi32, #tpu.memory_space<hbm>>
      %dma_wait3A_80 = tpu.memref_squeeze %dma_wait3A_79 : memref<1x40x128xi32, #tpu.memory_space<hbm>> -> memref<40x128xi32, #tpu.memory_space<hbm>>
      tpu.wait_dma2 semaphore(%run_scoped3A : memref<!tpu.dma_semaphore, #tpu.memory_space<semaphore_mem>>) src(%dma_wait3A_80 : memref<40x128xi32, #tpu.memory_space<hbm>>) dst(%arg7 : memref<40x128xi32, #tpu.memory_space<vmem>>)
      tpu.yield
    }) : () -> ()
    "tpu.region"() ({
      %run_scoped3A = tpu.sem_alloc : memref<!tpu.dma_semaphore, #tpu.memory_space<semaphore_mem>>
      %dma_start3A_66 = arith.constant 40 : i32
      %dma_start3A_67 = arith.constant 0 : i32
      %dma_start3A_68 = tpu.memref_slice %arg4[%add3A, %dma_start3A_66, %dma_start3A_67] : memref<32x80x128xi32, #tpu.memory_space<hbm>> -> memref<1x40x128xi32, #tpu.memory_space<hbm>>
      %dma_start3A_69 = tpu.memref_squeeze %dma_start3A_68 : memref<1x40x128xi32, #tpu.memory_space<hbm>> -> memref<40x128xi32, #tpu.memory_space<hbm>>
      %dma_start3A_70 = arith.constant 40 : i32
      %dma_start3A_71 = arith.constant 0 : i32
      %dma_start3A_72 = tpu.memref_slice %arg4[%add3A, %dma_start3A_70, %dma_start3A_71] : memref<32x80x128xi32, #tpu.memory_space<hbm>> -> memref<1x40x128xi32, #tpu.memory_space<hbm>>
      %dma_start3A_73 = tpu.memref_squeeze %dma_start3A_72 : memref<1x40x128xi32, #tpu.memory_space<hbm>> -> memref<40x128xi32, #tpu.memory_space<hbm>>
      tpu.enqueue_dma source(%dma_start3A_73 : memref<40x128xi32, #tpu.memory_space<hbm>>) target(%arg8 : memref<40x128xi32, #tpu.memory_space<vmem>>) target_semaphore(%run_scoped3A : memref<!tpu.dma_semaphore, #tpu.memory_space<semaphore_mem>>)
      %dma_wait3A = arith.constant 40 : i32
      %dma_wait3A_74 = arith.constant 0 : i32
      %dma_wait3A_75 = tpu.memref_slice %arg4[%add3A, %dma_wait3A, %dma_wait3A_74] : memref<32x80x128xi32, #tpu.memory_space<hbm>> -> memref<1x40x128xi32, #tpu.memory_space<hbm>>
      %dma_wait3A_76 = tpu.memref_squeeze %dma_wait3A_75 : memref<1x40x128xi32, #tpu.memory_space<hbm>> -> memref<40x128xi32, #tpu.memory_space<hbm>>
      %dma_wait3A_77 = arith.constant 40 : i32
      %dma_wait3A_78 = arith.constant 0 : i32
      %dma_wait3A_79 = tpu.memref_slice %arg4[%add3A, %dma_wait3A_77, %dma_wait3A_78] : memref<32x80x128xi32, #tpu.memory_space<hbm>> -> memref<1x40x128xi32, #tpu.memory_space<hbm>>
      %dma_wait3A_80 = tpu.memref_squeeze %dma_wait3A_79 : memref<1x40x128xi32, #tpu.memory_space<hbm>> -> memref<40x128xi32, #tpu.memory_space<hbm>>
      tpu.wait_dma2 semaphore(%run_scoped3A : memref<!tpu.dma_semaphore, #tpu.memory_space<semaphore_mem>>) src(%dma_wait3A_80 : memref<40x128xi32, #tpu.memory_space<hbm>>) dst(%arg8 : memref<40x128xi32, #tpu.memory_space<vmem>>)
      tpu.yield
    }) : () -> ()
    %dma_start3A_31 = arith.constant 0 : i32
    %dma_start3A_32 = arith.constant 0 : i32
    %dma_start3A_33 = arith.constant 0 : i32
    %dma_start3A_34 = arith.constant 0 : i32
    %dma_start3A_35 = tpu.memref_slice %arg9[%dma_start3A_32, %dma_start3A_33, %dma_start3A_34] : memref<2x128x128xf32, #tpu.memory_space<vmem>> -> memref<1x128x128xf32, #tpu.memory_space<vmem>>
    %dma_start3A_36 = tpu.memref_squeeze %dma_start3A_35 : memref<1x128x128xf32, #tpu.memory_space<vmem>> -> memref<128x128xf32, #tpu.memory_space<vmem>>
    %dma_start3A_37 = arith.constant 0 : i32
    %dma_start3A_38 = tpu.memref_slice %arg7[%dma_start3A_31, %dma_start3A_37] : memref<40x128xi32, #tpu.memory_space<vmem>> -> memref<1x128xi32, #tpu.memory_space<vmem>>
    %dma_start3A_39 = tpu.memref_squeeze %dma_start3A_38 : memref<1x128xi32, #tpu.memory_space<vmem>> -> memref<128xi32, #tpu.memory_space<vmem>>
    %dma_start3A_40 = arith.constant 0 : i32
    %dma_start3A_41 = arith.constant 0 : i32
    %dma_start3A_42 = tpu.memref_slice %arg2[%dma_start3A_40, %dma_start3A_41] : memref<10000x128xf32, #tpu.memory_space<hbm>> -> memref<10000x128xf32, #tpu.memory_space<hbm>>
    tpu.enqueue_indirect_dma source(%dma_start3A_42 : memref<10000x128xf32, #tpu.memory_space<hbm>>) target(%dma_start3A_36 : memref<128x128xf32, #tpu.memory_space<vmem>>) offsets(%dma_start3A_39 : memref<128xi32, #tpu.memory_space<vmem>>) semaphore(%arg11 : memref<!tpu.dma_semaphore, #tpu.memory_space<semaphore_mem>>)
    %dma_start3A_43 = arith.constant 1 : i32
    %dma_start3A_44 = arith.constant 1 : i32
    %dma_start3A_45 = arith.constant 0 : i32
    %dma_start3A_46 = arith.constant 0 : i32
    %dma_start3A_47 = tpu.memref_slice %arg9[%dma_start3A_44, %dma_start3A_45, %dma_start3A_46] : memref<2x128x128xf32, #tpu.memory_space<vmem>> -> memref<1x128x128xf32, #tpu.memory_space<vmem>>
    %dma_start3A_48 = tpu.memref_squeeze %dma_start3A_47 : memref<1x128x128xf32, #tpu.memory_space<vmem>> -> memref<128x128xf32, #tpu.memory_space<vmem>>
    %dma_start3A_49 = arith.constant 0 : i32
    %dma_start3A_50 = tpu.memref_slice %arg7[%dma_start3A_43, %dma_start3A_49] : memref<40x128xi32, #tpu.memory_space<vmem>> -> memref<1x128xi32, #tpu.memory_space<vmem>>
    %dma_start3A_51 = tpu.memref_squeeze %dma_start3A_50 : memref<1x128xi32, #tpu.memory_space<vmem>> -> memref<128xi32, #tpu.memory_space<vmem>>
    %dma_start3A_52 = arith.constant 0 : i32
    %dma_start3A_53 = arith.constant 0 : i32
    %dma_start3A_54 = tpu.memref_slice %arg2[%dma_start3A_52, %dma_start3A_53] : memref<10000x128xf32, #tpu.memory_space<hbm>> -> memref<10000x128xf32, #tpu.memory_space<hbm>>
    tpu.enqueue_indirect_dma source(%dma_start3A_54 : memref<10000x128xf32, #tpu.memory_space<hbm>>) target(%dma_start3A_48 : memref<128x128xf32, #tpu.memory_space<vmem>>) offsets(%dma_start3A_51 : memref<128xi32, #tpu.memory_space<vmem>>) semaphore(%arg12 : memref<!tpu.dma_semaphore, #tpu.memory_space<semaphore_mem>>)
    %scan3A_55 = arith.constant 0 : i32
    %scan3A_56 = arith.constant 0 : i32
    %scan3A_57 = arith.constant 20 : i32
    %scan3A_58 = arith.addi %scan3A_56, %scan3A_57 : i32
    %scan3A_59 = arith.constant 1 : i32
    scf.for %scan3A_66 = %scan3A_56 to %scan3A_58 step %scan3A_59  : i32 {
      %mul3A_67 = arith.constant 2 : i32
      %mul3A_68 = arith.muli %scan3A_66, %mul3A_67 : i32
      %add3A_69 = arith.constant 0 : i32
      %add3A_70 = arith.addi %mul3A_68, %add3A_69 : i32
      %dma_wait3A = arith.constant 0 : i32
      %dma_wait3A_71 = arith.constant 0 : i32
      %dma_wait3A_72 = arith.constant 0 : i32
      %dma_wait3A_73 = tpu.memref_slice %arg9[%dma_wait3A, %dma_wait3A_71, %dma_wait3A_72] : memref<2x128x128xf32, #tpu.memory_space<vmem>> -> memref<1x128x128xf32, #tpu.memory_space<vmem>>
      %dma_wait3A_74 = tpu.memref_squeeze %dma_wait3A_73 : memref<1x128x128xf32, #tpu.memory_space<vmem>> -> memref<128x128xf32, #tpu.memory_space<vmem>>
      %dma_wait3A_75 = arith.constant 0 : i32
      %dma_wait3A_76 = tpu.memref_slice %arg7[%add3A_70, %dma_wait3A_75] : memref<40x128xi32, #tpu.memory_space<vmem>> -> memref<1x128xi32, #tpu.memory_space<vmem>>
      %dma_wait3A_77 = tpu.memref_squeeze %dma_wait3A_76 : memref<1x128xi32, #tpu.memory_space<vmem>> -> memref<128xi32, #tpu.memory_space<vmem>>
      %dma_wait3A_78 = arith.constant 0 : i32
      %dma_wait3A_79 = arith.constant 0 : i32
      %dma_wait3A_80 = tpu.memref_slice %arg2[%dma_wait3A_78, %dma_wait3A_79] : memref<10000x128xf32, #tpu.memory_space<hbm>> -> memref<10000x128xf32, #tpu.memory_space<hbm>>
      tpu.wait_indirect_dma semaphore(%arg11 : memref<!tpu.dma_semaphore, #tpu.memory_space<semaphore_mem>>) src(%dma_wait3A_80 : memref<10000x128xf32, #tpu.memory_space<hbm>>) dst(%dma_wait3A_74 : memref<128x128xf32, #tpu.memory_space<vmem>>)
      %run_scoped3A = arith.constant 0 : i32
      "tpu.region"() ({
        %run_scoped3A_108 = tpu.sem_alloc : memref<!tpu.dma_semaphore, #tpu.memory_space<semaphore_mem>>
        %dma_start3A_109 = arith.constant 0 : i32
        %dma_start3A_110 = arith.constant 0 : i32
        %dma_start3A_111 = tpu.memref_slice %arg9[%run_scoped3A, %dma_start3A_109, %dma_start3A_110] : memref<2x128x128xf32, #tpu.memory_space<vmem>> -> memref<1x128x128xf32, #tpu.memory_space<vmem>>
        %dma_start3A_112 = tpu.memref_squeeze %dma_start3A_111 : memref<1x128x128xf32, #tpu.memory_space<vmem>> -> memref<128x128xf32, #tpu.memory_space<vmem>>
        %dma_start3A_113 = arith.constant 0 : i32
        %dma_start3A_114 = tpu.memref_slice %arg8[%add3A_70, %dma_start3A_113] : memref<40x128xi32, #tpu.memory_space<vmem>> -> memref<1x128xi32, #tpu.memory_space<vmem>>
        %dma_start3A_115 = tpu.memref_squeeze %dma_start3A_114 : memref<1x128xi32, #tpu.memory_space<vmem>> -> memref<128xi32, #tpu.memory_space<vmem>>
        %dma_start3A_116 = arith.constant 0 : i32
        %dma_start3A_117 = arith.constant 0 : i32
        %dma_start3A_118 = tpu.memref_slice %arg10[%dma_start3A_116, %dma_start3A_117] : memref<10112x128xf32, #tpu.memory_space<vmem_shared>> -> memref<10112x128xf32, #tpu.memory_space<vmem_shared>>
        tpu.enqueue_indirect_dma source(%dma_start3A_112 : memref<128x128xf32, #tpu.memory_space<vmem>>) target(%dma_start3A_118 : memref<10112x128xf32, #tpu.memory_space<vmem_shared>>) offsets(%dma_start3A_115 : memref<128xi32, #tpu.memory_space<vmem>>) semaphore(%run_scoped3A_108 : memref<!tpu.dma_semaphore, #tpu.memory_space<semaphore_mem>>) {add = true}
        %dma_wait3A_119 = arith.constant 0 : i32
        %dma_wait3A_120 = arith.constant 0 : i32
        %dma_wait3A_121 = tpu.memref_slice %arg9[%run_scoped3A, %dma_wait3A_119, %dma_wait3A_120] : memref<2x128x128xf32, #tpu.memory_space<vmem>> -> memref<1x128x128xf32, #tpu.memory_space<vmem>>
        %dma_wait3A_122 = tpu.memref_squeeze %dma_wait3A_121 : memref<1x128x128xf32, #tpu.memory_space<vmem>> -> memref<128x128xf32, #tpu.memory_space<vmem>>
        %dma_wait3A_123 = arith.constant 0 : i32
        %dma_wait3A_124 = tpu.memref_slice %arg8[%add3A_70, %dma_wait3A_123] : memref<40x128xi32, #tpu.memory_space<vmem>> -> memref<1x128xi32, #tpu.memory_space<vmem>>
        %dma_wait3A_125 = tpu.memref_squeeze %dma_wait3A_124 : memref<1x128xi32, #tpu.memory_space<vmem>> -> memref<128xi32, #tpu.memory_space<vmem>>
        %dma_wait3A_126 = arith.constant 0 : i32
        %dma_wait3A_127 = arith.constant 0 : i32
        %dma_wait3A_128 = tpu.memref_slice %arg10[%dma_wait3A_126, %dma_wait3A_127] : memref<10112x128xf32, #tpu.memory_space<vmem_shared>> -> memref<10112x128xf32, #tpu.memory_space<vmem_shared>>
        tpu.wait_indirect_dma semaphore(%run_scoped3A_108 : memref<!tpu.dma_semaphore, #tpu.memory_space<semaphore_mem>>) src(%dma_wait3A_122 : memref<128x128xf32, #tpu.memory_space<vmem>>) dst(%dma_wait3A_128 : memref<10112x128xf32, #tpu.memory_space<vmem_shared>>)
        tpu.yield
      }) : () -> ()
      %add3A_81 = arith.constant 2 : i32
      %add3A_82 = arith.addi %add3A_70, %add3A_81 : i32
      %lt3A = arith.constant 40 : i32
      %lt3A_83 = arith.cmpi slt, %add3A_82, %lt3A : i32
      %convert_element_type3A = arith.extui %lt3A_83 : i1 to i32
      %cond3A = arith.constant 0 : i32
      %cond3A_84 = arith.cmpi ne, %convert_element_type3A, %cond3A : i32
      scf.if %cond3A_84 {
        %dma_start3A_108 = arith.constant 0 : i32
        %dma_start3A_109 = arith.constant 0 : i32
        %dma_start3A_110 = arith.constant 0 : i32
        %dma_start3A_111 = tpu.memref_slice %arg9[%dma_start3A_108, %dma_start3A_109, %dma_start3A_110] : memref<2x128x128xf32, #tpu.memory_space<vmem>> -> memref<1x128x128xf32, #tpu.memory_space<vmem>>
        %dma_start3A_112 = tpu.memref_squeeze %dma_start3A_111 : memref<1x128x128xf32, #tpu.memory_space<vmem>> -> memref<128x128xf32, #tpu.memory_space<vmem>>
        %dma_start3A_113 = arith.constant 0 : i32
        %dma_start3A_114 = tpu.memref_slice %arg7[%add3A_82, %dma_start3A_113] : memref<40x128xi32, #tpu.memory_space<vmem>> -> memref<1x128xi32, #tpu.memory_space<vmem>>
        %dma_start3A_115 = tpu.memref_squeeze %dma_start3A_114 : memref<1x128xi32, #tpu.memory_space<vmem>> -> memref<128xi32, #tpu.memory_space<vmem>>
        %dma_start3A_116 = arith.constant 0 : i32
        %dma_start3A_117 = arith.constant 0 : i32
        %dma_start3A_118 = tpu.memref_slice %arg2[%dma_start3A_116, %dma_start3A_117] : memref<10000x128xf32, #tpu.memory_space<hbm>> -> memref<10000x128xf32, #tpu.memory_space<hbm>>
        tpu.enqueue_indirect_dma source(%dma_start3A_118 : memref<10000x128xf32, #tpu.memory_space<hbm>>) target(%dma_start3A_112 : memref<128x128xf32, #tpu.memory_space<vmem>>) offsets(%dma_start3A_115 : memref<128xi32, #tpu.memory_space<vmem>>) semaphore(%arg11 : memref<!tpu.dma_semaphore, #tpu.memory_space<semaphore_mem>>)
      } else {
      }
      %mul3A_85 = arith.constant 2 : i32
      %mul3A_86 = arith.muli %scan3A_66, %mul3A_85 : i32
      %add3A_87 = arith.constant 1 : i32
      %add3A_88 = arith.addi %mul3A_86, %add3A_87 : i32
      %dma_wait3A_89 = arith.constant 1 : i32
      %dma_wait3A_90 = arith.constant 0 : i32
      %dma_wait3A_91 = arith.constant 0 : i32
      %dma_wait3A_92 = tpu.memref_slice %arg9[%dma_wait3A_89, %dma_wait3A_90, %dma_wait3A_91] : memref<2x128x128xf32, #tpu.memory_space<vmem>> -> memref<1x128x128xf32, #tpu.memory_space<vmem>>
      %dma_wait3A_93 = tpu.memref_squeeze %dma_wait3A_92 : memref<1x128x128xf32, #tpu.memory_space<vmem>> -> memref<128x128xf32, #tpu.memory_space<vmem>>
      %dma_wait3A_94 = arith.constant 0 : i32
      %dma_wait3A_95 = tpu.memref_slice %arg7[%add3A_88, %dma_wait3A_94] : memref<40x128xi32, #tpu.memory_space<vmem>> -> memref<1x128xi32, #tpu.memory_space<vmem>>
      %dma_wait3A_96 = tpu.memref_squeeze %dma_wait3A_95 : memref<1x128xi32, #tpu.memory_space<vmem>> -> memref<128xi32, #tpu.memory_space<vmem>>
      %dma_wait3A_97 = arith.constant 0 : i32
      %dma_wait3A_98 = arith.constant 0 : i32
      %dma_wait3A_99 = tpu.memref_slice %arg2[%dma_wait3A_97, %dma_wait3A_98] : memref<10000x128xf32, #tpu.memory_space<hbm>> -> memref<10000x128xf32, #tpu.memory_space<hbm>>
      tpu.wait_indirect_dma semaphore(%arg12 : memref<!tpu.dma_semaphore, #tpu.memory_space<semaphore_mem>>) src(%dma_wait3A_99 : memref<10000x128xf32, #tpu.memory_space<hbm>>) dst(%dma_wait3A_93 : memref<128x128xf32, #tpu.memory_space<vmem>>)
      %run_scoped3A_100 = arith.constant 1 : i32
      "tpu.region"() ({
        %run_scoped3A_108 = tpu.sem_alloc : memref<!tpu.dma_semaphore, #tpu.memory_space<semaphore_mem>>
        %dma_start3A_109 = arith.constant 0 : i32
        %dma_start3A_110 = arith.constant 0 : i32
        %dma_start3A_111 = tpu.memref_slice %arg9[%run_scoped3A_100, %dma_start3A_109, %dma_start3A_110] : memref<2x128x128xf32, #tpu.memory_space<vmem>> -> memref<1x128x128xf32, #tpu.memory_space<vmem>>
        %dma_start3A_112 = tpu.memref_squeeze %dma_start3A_111 : memref<1x128x128xf32, #tpu.memory_space<vmem>> -> memref<128x128xf32, #tpu.memory_space<vmem>>
        %dma_start3A_113 = arith.constant 0 : i32
        %dma_start3A_114 = tpu.memref_slice %arg8[%add3A_88, %dma_start3A_113] : memref<40x128xi32, #tpu.memory_space<vmem>> -> memref<1x128xi32, #tpu.memory_space<vmem>>
        %dma_start3A_115 = tpu.memref_squeeze %dma_start3A_114 : memref<1x128xi32, #tpu.memory_space<vmem>> -> memref<128xi32, #tpu.memory_space<vmem>>
        %dma_start3A_116 = arith.constant 0 : i32
        %dma_start3A_117 = arith.constant 0 : i32
        %dma_start3A_118 = tpu.memref_slice %arg10[%dma_start3A_116, %dma_start3A_117] : memref<10112x128xf32, #tpu.memory_space<vmem_shared>> -> memref<10112x128xf32, #tpu.memory_space<vmem_shared>>
        tpu.enqueue_indirect_dma source(%dma_start3A_112 : memref<128x128xf32, #tpu.memory_space<vmem>>) target(%dma_start3A_118 : memref<10112x128xf32, #tpu.memory_space<vmem_shared>>) offsets(%dma_start3A_115 : memref<128xi32, #tpu.memory_space<vmem>>) semaphore(%run_scoped3A_108 : memref<!tpu.dma_semaphore, #tpu.memory_space<semaphore_mem>>) {add = true}
        %dma_wait3A_119 = arith.constant 0 : i32
        %dma_wait3A_120 = arith.constant 0 : i32
        %dma_wait3A_121 = tpu.memref_slice %arg9[%run_scoped3A_100, %dma_wait3A_119, %dma_wait3A_120] : memref<2x128x128xf32, #tpu.memory_space<vmem>> -> memref<1x128x128xf32, #tpu.memory_space<vmem>>
        %dma_wait3A_122 = tpu.memref_squeeze %dma_wait3A_121 : memref<1x128x128xf32, #tpu.memory_space<vmem>> -> memref<128x128xf32, #tpu.memory_space<vmem>>
        %dma_wait3A_123 = arith.constant 0 : i32
        %dma_wait3A_124 = tpu.memref_slice %arg8[%add3A_88, %dma_wait3A_123] : memref<40x128xi32, #tpu.memory_space<vmem>> -> memref<1x128xi32, #tpu.memory_space<vmem>>
        %dma_wait3A_125 = tpu.memref_squeeze %dma_wait3A_124 : memref<1x128xi32, #tpu.memory_space<vmem>> -> memref<128xi32, #tpu.memory_space<vmem>>
        %dma_wait3A_126 = arith.constant 0 : i32
        %dma_wait3A_127 = arith.constant 0 : i32
        %dma_wait3A_128 = tpu.memref_slice %arg10[%dma_wait3A_126, %dma_wait3A_127] : memref<10112x128xf32, #tpu.memory_space<vmem_shared>> -> memref<10112x128xf32, #tpu.memory_space<vmem_shared>>
        tpu.wait_indirect_dma semaphore(%run_scoped3A_108 : memref<!tpu.dma_semaphore, #tpu.memory_space<semaphore_mem>>) src(%dma_wait3A_122 : memref<128x128xf32, #tpu.memory_space<vmem>>) dst(%dma_wait3A_128 : memref<10112x128xf32, #tpu.memory_space<vmem_shared>>)
        tpu.yield
      }) : () -> ()
      %add3A_101 = arith.constant 2 : i32
      %add3A_102 = arith.addi %add3A_88, %add3A_101 : i32
      %lt3A_103 = arith.constant 40 : i32
      %lt3A_104 = arith.cmpi slt, %add3A_102, %lt3A_103 : i32
      %convert_element_type3A_105 = arith.extui %lt3A_104 : i1 to i32
      %cond3A_106 = arith.constant 0 : i32
      %cond3A_107 = arith.cmpi ne, %convert_element_type3A_105, %cond3A_106 : i32
      scf.if %cond3A_107 {
        %dma_start3A_108 = arith.constant 1 : i32
        %dma_start3A_109 = arith.constant 0 : i32
        %dma_start3A_110 = arith.constant 0 : i32
        %dma_start3A_111 = tpu.memref_slice %arg9[%dma_start3A_108, %dma_start3A_109, %dma_start3A_110] : memref<2x128x128xf32, #tpu.memory_space<vmem>> -> memref<1x128x128xf32, #tpu.memory_space<vmem>>
        %dma_start3A_112 = tpu.memref_squeeze %dma_start3A_111 : memref<1x128x128xf32, #tpu.memory_space<vmem>> -> memref<128x128xf32, #tpu.memory_space<vmem>>
        %dma_start3A_113 = arith.constant 0 : i32
        %dma_start3A_114 = tpu.memref_slice %arg7[%add3A_102, %dma_start3A_113] : memref<40x128xi32, #tpu.memory_space<vmem>> -> memref<1x128xi32, #tpu.memory_space<vmem>>
        %dma_start3A_115 = tpu.memref_squeeze %dma_start3A_114 : memref<1x128xi32, #tpu.memory_space<vmem>> -> memref<128xi32, #tpu.memory_space<vmem>>
        %dma_start3A_116 = arith.constant 0 : i32
        %dma_start3A_117 = arith.constant 0 : i32
        %dma_start3A_118 = tpu.memref_slice %arg2[%dma_start3A_116, %dma_start3A_117] : memref<10000x128xf32, #tpu.memory_space<hbm>> -> memref<10000x128xf32, #tpu.memory_space<hbm>>
        tpu.enqueue_indirect_dma source(%dma_start3A_118 : memref<10000x128xf32, #tpu.memory_space<hbm>>) target(%dma_start3A_112 : memref<128x128xf32, #tpu.memory_space<vmem>>) offsets(%dma_start3A_115 : memref<128xi32, #tpu.memory_space<vmem>>) semaphore(%arg12 : memref<!tpu.dma_semaphore, #tpu.memory_space<semaphore_mem>>)
      } else {
      }
    }
    %scan3A_60 = arith.constant 20 : i32
    %barrier3A_61 = arith.constant 0 : index
    tpu.barrier barrier_id(%barrier3A_61)
    %mul3A_62 = arith.constant 632 : i32
    %mul3A_63 = arith.muli %arg1, %mul3A_62 : i32
    %mul3A_64 = arith.constant 632 : i32
    %mul3A_65 = arith.muli %arg1, %mul3A_64 : i32
    "tpu.region"() ({
      %run_scoped3A = tpu.sem_alloc : memref<!tpu.dma_semaphore, #tpu.memory_space<semaphore_mem>>
      %dma_start3A_66 = arith.constant 0 : i32
      %dma_start3A_67 = tpu.memref_slice %arg6[%arg0, %mul3A_65, %dma_start3A_66] : memref<2x10112x128xf32, #tpu.memory_space<hbm>> -> memref<1x632x128xf32, #tpu.memory_space<hbm>>
      %dma_start3A_68 = tpu.memref_squeeze %dma_start3A_67 : memref<1x632x128xf32, #tpu.memory_space<hbm>> -> memref<632x128xf32, #tpu.memory_space<hbm>>
      %dma_start3A_69 = arith.constant 0 : i32
      %dma_start3A_70 = tpu.memref_slice %arg10[%mul3A_63, %dma_start3A_69] : memref<10112x128xf32, #tpu.memory_space<vmem_shared>> -> memref<632x128xf32, #tpu.memory_space<vmem_shared>>
      tpu.enqueue_dma source(%dma_start3A_70 : memref<632x128xf32, #tpu.memory_space<vmem_shared>>) target(%dma_start3A_68 : memref<632x128xf32, #tpu.memory_space<hbm>>) target_semaphore(%run_scoped3A : memref<!tpu.dma_semaphore, #tpu.memory_space<semaphore_mem>>)
      %dma_wait3A = arith.constant 0 : i32
      %dma_wait3A_71 = tpu.memref_slice %arg6[%arg0, %mul3A_65, %dma_wait3A] : memref<2x10112x128xf32, #tpu.memory_space<hbm>> -> memref<1x632x128xf32, #tpu.memory_space<hbm>>
      %dma_wait3A_72 = tpu.memref_squeeze %dma_wait3A_71 : memref<1x632x128xf32, #tpu.memory_space<hbm>> -> memref<632x128xf32, #tpu.memory_space<hbm>>
      %dma_wait3A_73 = arith.constant 0 : i32
      %dma_wait3A_74 = tpu.memref_slice %arg10[%mul3A_63, %dma_wait3A_73] : memref<10112x128xf32, #tpu.memory_space<vmem_shared>> -> memref<632x128xf32, #tpu.memory_space<vmem_shared>>
      tpu.wait_dma2 semaphore(%run_scoped3A : memref<!tpu.dma_semaphore, #tpu.memory_space<semaphore_mem>>) src(%dma_wait3A_74 : memref<632x128xf32, #tpu.memory_space<vmem_shared>>) dst(%dma_wait3A_72 : memref<632x128xf32, #tpu.memory_space<hbm>>)
      tpu.yield
    }) : () -> ()
    return
  }
}

module attributes {stable_mosaic.version = 14 : i64} {
  func.func @body(%arg0: memref<10000x128xf32, #tpu.memory_space<vmem>>, %arg1: memref<2x10112x128xf32, #tpu.memory_space<vmem>>, %arg2: memref<128x128xf32, #tpu.memory_space<vmem>>, %arg3: memref<1x128xf32, #tpu.memory_space<vmem>>, %arg4: memref<1x128xf32, #tpu.memory_space<vmem>>, %arg5: memref<1x128xf32, #tpu.memory_space<vmem>>, %arg6: memref<128x128xf32, #tpu.memory_space<vmem>>, %arg7: memref<1x128xf32, #tpu.memory_space<vmem>>, %arg8: memref<10000x128xf32, #tpu.memory_space<vmem>>) attributes {dimension_semantics = [], scalar_prefetch = 0 : i64, scratch_operands = 0 : i64, tpu.core_type = #tpu.core_type<tc>} {
    %get3A = arith.constant 0 : index
    %get3A_0 = arith.constant 0 : index
    %get3A_1 = vector.load %arg0[%get3A, %get3A_0] : memref<10000x128xf32, #tpu.memory_space<vmem>>, vector<10000x128xf32>
    %get3A_2 = arith.constant 0 : index
    %get3A_3 = arith.constant 0 : index
    %get3A_4 = arith.constant 0 : index
    %get3A_5 = vector.load %arg1[%get3A_2, %get3A_3, %get3A_4] : memref<2x10112x128xf32, #tpu.memory_space<vmem>>, vector<1x10000x128xf32>
    %get3A_6 = vector.shape_cast %get3A_5 : vector<1x10000x128xf32> to vector<10000x128xf32>
    %add3A = arith.addf %get3A_1, %get3A_6 : vector<10000x128xf32>
    %get3A_7 = arith.constant 1 : index
    %get3A_8 = arith.constant 0 : index
    %get3A_9 = arith.constant 0 : index
    %get3A_10 = vector.load %arg1[%get3A_7, %get3A_8, %get3A_9] : memref<2x10112x128xf32, #tpu.memory_space<vmem>>, vector<1x10000x128xf32>
    %get3A_11 = vector.shape_cast %get3A_10 : vector<1x10000x128xf32> to vector<10000x128xf32>
    %add3A_12 = arith.addf %add3A, %get3A_11 : vector<10000x128xf32>
    %get3A_13 = arith.constant 0 : index
    %get3A_14 = arith.constant 0 : index
    %get3A_15 = vector.load %arg2[%get3A_13, %get3A_14] : memref<128x128xf32, #tpu.memory_space<vmem>>, vector<128x128xf32>
    %dot_general3A = arith.constant dense<0.000000e+00> : vector<10000x128xf32>
    %dot_general3A_16 = tpu.matmul %add3A_12, %get3A_15, %dot_general3A {dimension_numbers = #tpu.dot_dimension_numbers<[1], [0], [0], [1], [0, 0, 1, 1], [], []>, transpose_lhs_hint = false} : vector<10000x128xf32>, vector<128x128xf32>, vector<10000x128xf32> -> vector<10000x128xf32>
    %get3A_17 = arith.constant 0 : index
    %get3A_18 = arith.constant 0 : index
    %get3A_19 = vector.load %arg3[%get3A_17, %get3A_18] : memref<1x128xf32, #tpu.memory_space<vmem>>, vector<1x128xf32>
    %add3A_20 = vector.broadcast %get3A_19 : vector<1x128xf32> to vector<10000x128xf32>
    %add3A_21 = arith.addf %dot_general3A_16, %add3A_20 : vector<10000x128xf32>
    %reduce_sum3A = arith.constant dense<0.000000e+00> : vector<128xf32>
    %reduce_sum3A_22 = vector.multi_reduction <add>, %add3A_21, %reduce_sum3A [0] : vector<10000x128xf32> to vector<128xf32>
    %broadcast_in_dim3A = vector.shape_cast %reduce_sum3A_22 : vector<128xf32> to vector<1x128xf32>
    %div3A = arith.constant 1.000000e+04 : f32
    %div3A_23 = vector.broadcast %div3A : f32 to vector<1x128xf32>
    %div3A_24 = arith.divf %broadcast_in_dim3A, %div3A_23 : vector<1x128xf32>
    %sub3A = vector.broadcast %div3A_24 : vector<1x128xf32> to vector<10000x128xf32>
    %sub3A_25 = arith.subf %add3A_21, %sub3A : vector<10000x128xf32>
    %square3A = arith.mulf %sub3A_25, %sub3A_25 : vector<10000x128xf32>
    %reduce_sum3A_26 = arith.constant dense<0.000000e+00> : vector<128xf32>
    %reduce_sum3A_27 = vector.multi_reduction <add>, %square3A, %reduce_sum3A_26 [0] : vector<10000x128xf32> to vector<128xf32>
    %broadcast_in_dim3A_28 = vector.shape_cast %reduce_sum3A_27 : vector<128xf32> to vector<1x128xf32>
    %div3A_29 = arith.constant 1.000000e+04 : f32
    %div3A_30 = vector.broadcast %div3A_29 : f32 to vector<1x128xf32>
    %div3A_31 = arith.divf %broadcast_in_dim3A_28, %div3A_30 : vector<1x128xf32>
    %sub3A_32 = vector.broadcast %div3A_24 : vector<1x128xf32> to vector<10000x128xf32>
    %sub3A_33 = arith.subf %add3A_21, %sub3A_32 : vector<10000x128xf32>
    %add3A_34 = arith.constant 9.99999974E-6 : f32
    %add3A_35 = vector.broadcast %add3A_34 : f32 to vector<1x128xf32>
    %add3A_36 = arith.addf %div3A_31, %add3A_35 : vector<1x128xf32>
    %sqrt3A = math.sqrt %add3A_36 : vector<1x128xf32>
    %div3A_37 = vector.broadcast %sqrt3A : vector<1x128xf32> to vector<10000x128xf32>
    %div3A_38 = arith.divf %sub3A_33, %div3A_37 : vector<10000x128xf32>
    %get3A_39 = arith.constant 0 : index
    %get3A_40 = arith.constant 0 : index
    %get3A_41 = vector.load %arg4[%get3A_39, %get3A_40] : memref<1x128xf32, #tpu.memory_space<vmem>>, vector<1x128xf32>
    %mul3A = vector.broadcast %get3A_41 : vector<1x128xf32> to vector<10000x128xf32>
    %mul3A_42 = arith.mulf %div3A_38, %mul3A : vector<10000x128xf32>
    %get3A_43 = arith.constant 0 : index
    %get3A_44 = arith.constant 0 : index
    %get3A_45 = vector.load %arg5[%get3A_43, %get3A_44] : memref<1x128xf32, #tpu.memory_space<vmem>>, vector<1x128xf32>
    %add3A_46 = vector.broadcast %get3A_45 : vector<1x128xf32> to vector<10000x128xf32>
    %add3A_47 = arith.addf %mul3A_42, %add3A_46 : vector<10000x128xf32>
    %max3A = arith.constant 0.000000e+00 : f32
    %max3A_48 = vector.broadcast %max3A : f32 to vector<10000x128xf32>
    %max3A_49 = arith.maximumf %add3A_47, %max3A_48 : vector<10000x128xf32>
    %get3A_50 = arith.constant 0 : index
    %get3A_51 = arith.constant 0 : index
    %get3A_52 = vector.load %arg6[%get3A_50, %get3A_51] : memref<128x128xf32, #tpu.memory_space<vmem>>, vector<128x128xf32>
    %dot_general3A_53 = arith.constant dense<0.000000e+00> : vector<10000x128xf32>
    %dot_general3A_54 = tpu.matmul %max3A_49, %get3A_52, %dot_general3A_53 {dimension_numbers = #tpu.dot_dimension_numbers<[1], [0], [0], [1], [0, 0, 1, 1], [], []>, transpose_lhs_hint = false} : vector<10000x128xf32>, vector<128x128xf32>, vector<10000x128xf32> -> vector<10000x128xf32>
    %get3A_55 = arith.constant 0 : index
    %get3A_56 = arith.constant 0 : index
    %get3A_57 = vector.load %arg7[%get3A_55, %get3A_56] : memref<1x128xf32, #tpu.memory_space<vmem>>, vector<1x128xf32>
    %add3A_58 = vector.broadcast %get3A_57 : vector<1x128xf32> to vector<10000x128xf32>
    %add3A_59 = arith.addf %dot_general3A_54, %add3A_58 : vector<10000x128xf32>
    %max3A_60 = arith.constant 0.000000e+00 : f32
    %max3A_61 = vector.broadcast %max3A_60 : f32 to vector<10000x128xf32>
    %max3A_62 = arith.maximumf %add3A_59, %max3A_61 : vector<10000x128xf32>
    %swap3A = arith.constant 0 : index
    %swap3A_63 = arith.constant 0 : index
    %swap3A_64 = vector.load %arg8[%swap3A, %swap3A_63] : memref<10000x128xf32, #tpu.memory_space<vmem>>, vector<10000x128xf32>
    tpu.vector_store %arg8[%swap3A, %swap3A_63], %max3A_62 {strides = array<i32>} : memref<10000x128xf32, #tpu.memory_space<vmem>>, vector<10000x128xf32>,
    return
  }
}

module attributes {stable_mosaic.version = 14 : i64} {
  func.func @body(%arg0: memref<10000x128xf32, #tpu.memory_space<vmem>>, %arg1: memref<2x10112x128xf32, #tpu.memory_space<vmem>>, %arg2: memref<128x128xf32, #tpu.memory_space<vmem>>, %arg3: memref<1x128xf32, #tpu.memory_space<vmem>>, %arg4: memref<1x128xf32, #tpu.memory_space<vmem>>, %arg5: memref<1x128xf32, #tpu.memory_space<vmem>>, %arg6: memref<128x128xf32, #tpu.memory_space<vmem>>, %arg7: memref<1x128xf32, #tpu.memory_space<vmem>>, %arg8: memref<10000x128xf32, #tpu.memory_space<vmem>>) attributes {dimension_semantics = [], scalar_prefetch = 0 : i64, scratch_operands = 0 : i64, tpu.core_type = #tpu.core_type<tc>} {
    %get3A = arith.constant 0 : index
    %get3A_0 = arith.constant 0 : index
    %get3A_1 = vector.load %arg0[%get3A, %get3A_0] : memref<10000x128xf32, #tpu.memory_space<vmem>>, vector<10000x128xf32>
    %get3A_2 = arith.constant 0 : index
    %get3A_3 = arith.constant 0 : index
    %get3A_4 = arith.constant 0 : index
    %get3A_5 = vector.load %arg1[%get3A_2, %get3A_3, %get3A_4] : memref<2x10112x128xf32, #tpu.memory_space<vmem>>, vector<1x10000x128xf32>
    %get3A_6 = vector.shape_cast %get3A_5 : vector<1x10000x128xf32> to vector<10000x128xf32>
    %add3A = arith.addf %get3A_1, %get3A_6 : vector<10000x128xf32>
    %get3A_7 = arith.constant 1 : index
    %get3A_8 = arith.constant 0 : index
    %get3A_9 = arith.constant 0 : index
    %get3A_10 = vector.load %arg1[%get3A_7, %get3A_8, %get3A_9] : memref<2x10112x128xf32, #tpu.memory_space<vmem>>, vector<1x10000x128xf32>
    %get3A_11 = vector.shape_cast %get3A_10 : vector<1x10000x128xf32> to vector<10000x128xf32>
    %add3A_12 = arith.addf %add3A, %get3A_11 : vector<10000x128xf32>
    %get3A_13 = arith.constant 0 : index
    %get3A_14 = arith.constant 0 : index
    %get3A_15 = vector.load %arg2[%get3A_13, %get3A_14] : memref<128x128xf32, #tpu.memory_space<vmem>>, vector<128x128xf32>
    %dot_general3A = arith.constant dense<0.000000e+00> : vector<10000x128xf32>
    %dot_general3A_16 = tpu.matmul %add3A_12, %get3A_15, %dot_general3A {dimension_numbers = #tpu.dot_dimension_numbers<[1], [0], [0], [1], [0, 0, 1, 1], [], []>, transpose_lhs_hint = false} : vector<10000x128xf32>, vector<128x128xf32>, vector<10000x128xf32> -> vector<10000x128xf32>
    %get3A_17 = arith.constant 0 : index
    %get3A_18 = arith.constant 0 : index
    %get3A_19 = vector.load %arg3[%get3A_17, %get3A_18] : memref<1x128xf32, #tpu.memory_space<vmem>>, vector<1x128xf32>
    %add3A_20 = vector.broadcast %get3A_19 : vector<1x128xf32> to vector<10000x128xf32>
    %add3A_21 = arith.addf %dot_general3A_16, %add3A_20 : vector<10000x128xf32>
    %reduce_sum3A = arith.constant dense<0.000000e+00> : vector<128xf32>
    %reduce_sum3A_22 = vector.multi_reduction <add>, %add3A_21, %reduce_sum3A [0] : vector<10000x128xf32> to vector<128xf32>
    %broadcast_in_dim3A = vector.shape_cast %reduce_sum3A_22 : vector<128xf32> to vector<1x128xf32>
    %div3A = arith.constant 1.000000e+04 : f32
    %div3A_23 = vector.broadcast %div3A : f32 to vector<1x128xf32>
    %div3A_24 = arith.divf %broadcast_in_dim3A, %div3A_23 : vector<1x128xf32>
    %sub3A = vector.broadcast %div3A_24 : vector<1x128xf32> to vector<10000x128xf32>
    %sub3A_25 = arith.subf %add3A_21, %sub3A : vector<10000x128xf32>
    %square3A = arith.mulf %sub3A_25, %sub3A_25 : vector<10000x128xf32>
    %reduce_sum3A_26 = arith.constant dense<0.000000e+00> : vector<128xf32>
    %reduce_sum3A_27 = vector.multi_reduction <add>, %square3A, %reduce_sum3A_26 [0] : vector<10000x128xf32> to vector<128xf32>
    %broadcast_in_dim3A_28 = vector.shape_cast %reduce_sum3A_27 : vector<128xf32> to vector<1x128xf32>
    %div3A_29 = arith.constant 1.000000e+04 : f32
    %div3A_30 = vector.broadcast %div3A_29 : f32 to vector<1x128xf32>
    %div3A_31 = arith.divf %broadcast_in_dim3A_28, %div3A_30 : vector<1x128xf32>
    %sub3A_32 = vector.broadcast %div3A_24 : vector<1x128xf32> to vector<10000x128xf32>
    %sub3A_33 = arith.subf %add3A_21, %sub3A_32 : vector<10000x128xf32>
    %add3A_34 = arith.constant 9.99999974E-6 : f32
    %add3A_35 = vector.broadcast %add3A_34 : f32 to vector<1x128xf32>
    %add3A_36 = arith.addf %div3A_31, %add3A_35 : vector<1x128xf32>
    %sqrt3A = math.sqrt %add3A_36 : vector<1x128xf32>
    %div3A_37 = vector.broadcast %sqrt3A : vector<1x128xf32> to vector<10000x128xf32>
    %div3A_38 = arith.divf %sub3A_33, %div3A_37 : vector<10000x128xf32>
    %get3A_39 = arith.constant 0 : index
    %get3A_40 = arith.constant 0 : index
    %get3A_41 = vector.load %arg4[%get3A_39, %get3A_40] : memref<1x128xf32, #tpu.memory_space<vmem>>, vector<1x128xf32>
    %mul3A = vector.broadcast %get3A_41 : vector<1x128xf32> to vector<10000x128xf32>
    %mul3A_42 = arith.mulf %div3A_38, %mul3A : vector<10000x128xf32>
    %get3A_43 = arith.constant 0 : index
    %get3A_44 = arith.constant 0 : index
    %get3A_45 = vector.load %arg5[%get3A_43, %get3A_44] : memref<1x128xf32, #tpu.memory_space<vmem>>, vector<1x128xf32>
    %add3A_46 = vector.broadcast %get3A_45 : vector<1x128xf32> to vector<10000x128xf32>
    %add3A_47 = arith.addf %mul3A_42, %add3A_46 : vector<10000x128xf32>
    %max3A = arith.constant 0.000000e+00 : f32
    %max3A_48 = vector.broadcast %max3A : f32 to vector<10000x128xf32>
    %max3A_49 = arith.maximumf %add3A_47, %max3A_48 : vector<10000x128xf32>
    %get3A_50 = arith.constant 0 : index
    %get3A_51 = arith.constant 0 : index
    %get3A_52 = vector.load %arg6[%get3A_50, %get3A_51] : memref<128x128xf32, #tpu.memory_space<vmem>>, vector<128x128xf32>
    %dot_general3A_53 = arith.constant dense<0.000000e+00> : vector<10000x128xf32>
    %dot_general3A_54 = tpu.matmul %max3A_49, %get3A_52, %dot_general3A_53 {dimension_numbers = #tpu.dot_dimension_numbers<[1], [0], [0], [1], [0, 0, 1, 1], [], []>, transpose_lhs_hint = false} : vector<10000x128xf32>, vector<128x128xf32>, vector<10000x128xf32> -> vector<10000x128xf32>
    %get3A_55 = arith.constant 0 : index
    %get3A_56 = arith.constant 0 : index
    %get3A_57 = vector.load %arg7[%get3A_55, %get3A_56] : memref<1x128xf32, #tpu.memory_space<vmem>>, vector<1x128xf32>
    %add3A_58 = vector.broadcast %get3A_57 : vector<1x128xf32> to vector<10000x128xf32>
    %add3A_59 = arith.addf %dot_general3A_54, %add3A_58 : vector<10000x128xf32>
    %reduce_max3A = arith.constant dense<0xFF800000> : vector<10000xf32>
    %reduce_max3A_60 = vector.multi_reduction <maximumf>, %add3A_59, %reduce_max3A [1] : vector<10000x128xf32> to vector<10000xf32>
    %broadcast_in_dim3A_61 = vector.shape_cast %reduce_max3A_60 : vector<10000xf32> to vector<10000x1xf32>
    %sub3A_62 = vector.broadcast %broadcast_in_dim3A_61 : vector<10000x1xf32> to vector<10000x128xf32>
    %sub3A_63 = arith.subf %add3A_59, %sub3A_62 : vector<10000x128xf32>
    %exp3A = math.exp %sub3A_63 : vector<10000x128xf32>
    %reduce_sum3A_64 = arith.constant dense<0.000000e+00> : vector<10000xf32>
    %reduce_sum3A_65 = vector.multi_reduction <add>, %exp3A, %reduce_sum3A_64 [1] : vector<10000x128xf32> to vector<10000xf32>
    %broadcast_in_dim3A_66 = vector.shape_cast %reduce_sum3A_65 : vector<10000xf32> to vector<10000x1xf32>
    %log3A = math.log %broadcast_in_dim3A_66 : vector<10000x1xf32>
    %sub3A_67 = vector.broadcast %log3A : vector<10000x1xf32> to vector<10000x128xf32>
    %sub3A_68 = arith.subf %sub3A_63, %sub3A_67 : vector<10000x128xf32>
    %swap3A = arith.constant 0 : index
    %swap3A_69 = arith.constant 0 : index
    %swap3A_70 = vector.load %arg8[%swap3A, %swap3A_69] : memref<10000x128xf32, #tpu.memory_space<vmem>>, vector<10000x128xf32>
    tpu.vector_store %arg8[%swap3A, %swap3A_69], %sub3A_68 {strides = array<i32>} : memref<10000x128xf32, #tpu.memory_space<vmem>>, vector<10000x128xf32>,
    return
  }
}

</mosaic_0001>

<sc_bundles>
// kernel: kernel.6.cloned.1.call-start
scs
__scs_entry_jumppad:
0x0: {  	(pc) =	sbr.rel $0x88, $3  }
0x1: {  	(tag) =	ssettag $0x0;
	lr =	simm.s32 $0x1  }
0x2: {  	[smem:$0x3F93] =	sst lr;
	_ =	strace $0xD0000000  }
0x3: {  	_ = 	snop  }
0x4: {  	_ = 	snop  }
0x5: {  	_ = 	snop  }
0x6: {  	_ = 	snop  }
0x7: {  	_ = 	snop  }
__scs_overlays_trampoline_lowered:
0x8: {  	[smem:$0x3FA2] =	sst s0  }
0x9: {  	[smem:$0x3FA3] =	sst s1  }
0xa: {  	[smem:$0x3FA4] =	sst s2  }
0xb: {  	[smem:$0x3FA5] =	sst s3  }
0xc: {  	[smem:$0x3FA6] =	sst s4  }
0xd: {  	[smem:$0x3FA7] =	sst s5  }
0xe: {  	[smem:$0x3FA8] =	sst s6  }
0xf: {  	[smem:$0x3FA9] =	sst s7  }
0x10: {  	[smem:$0x3FAA] =	sst s8  }
0x11: {  	[smem:$0x3FAB] =	sst s9;
	s0 =	simm.s32 @!p0 $0x0  }
0x12: {  	s1 =	sld [smem:$0x3F91];
	s0 =	simm.s32 @p0 $0x1  }
0x13: {  	[smem:$0x3FAC] =	sst s0;
	s0 =	simm.s32 @!p1 $0x0  }
0x14: {  	s2 =	sld [smem:$0x3F90];
	s0 =	simm.s32 @p1 $0x1  }
0x15: {  	[smem:$0x3FAD] =	sst s0;
	s0 =	simm.s32 @!p2 $0x0  }
0x16: {  	s3 =	sld [smem:$0x3FDB];
	s0 =	simm.s32 @p2 $0x1  }
0x17: {  	s4 =	simm.s32 $0x1BF5;
	[smem:$0x3FAF] =	sst s0  }
0x18: {  	s0 =	sld [smem:$0x3F92];
	_ =	swait.ge [sflag:s4], $0x0  }
0x19: {  	s7 =	sld [smem:$0x3F93]  }
0x1a: {  	s8 =	sadd.s32 $0xFFFFE003, lr  }
0x1b: {  	s9 =	sadd.s32 $0xFFFFFEF7, lr;
	s5 =	simm.s32 $0xFFFFFFFF;
	p2 =	slt.u32 s8, $0xFFFFF086  }
0x1c: {  	p1 =	slt.u32 s9, $0xF7A;
	s5 =	simm.s32 @!p2 $0x0  }
0x1d: {  	s5 =	simm.s32 @p1 $0x1;
	p0 =	seq.s32 s7, s2  }
0x1e: {  	s7 =	smul.u32 @!p0 $0xF7A, s2;
	p2 =	seq.s32 @!p0 s5, $0x0  }
0x1f: {  	s9 =	smul.u32 $0xF7A, s1;
	s8 =	simm.s32 @!p0 $0x1BF5;
	p2 =	por !p2, p0  }
0x20: {  	[sflag:s8] =	ssyncset.s32 @!p0 $0xFFFFF086;
	s6 =	sadd.s32 @!p0 s3, s7;
	s7 =	simm.s32 @!p0 $0x108  }
0x21: {  	s3 =	sadd.s32 s3, s9;
	s6 =	sadd.s32 @!p0 $0x88, s6;
	s7 =	simm.s32 @p2 $0x1082  }
0x22: {  	[simem:s7], [sflag:s8] =	dma.local @!p0 [hbm:s6], $0xF7A  }
0x23: {  	s9 =	sor.u32 $0xD0000000, s2;
	s6 =	simm.s32 $0x108;
	_ =	swait.ge @!p0 [sflag:s8], $0x0  }
0x24: {  	s3 =	sadd.s32 $0x88, s3;
	s6 =	simm.s32 @!p1 $0x1082;
	[sflag:s4] =	ssyncset.s32 $0xFFFFF086  }
0x25: {  	[simem:s6], [sflag:s4] =	dma.local [hbm:s3], $0xF7A  }
0x26: {  	[smem:$0x3F93] =	sst s1;
	(tag) =	ssettag s2;
	_ =	strace s9  }
0x27: {  	s1 =	sld [smem:$0x3FA3]  }
0x28: {  	s2 =	sld [smem:$0x3FA4]  }
0x29: {  	s4 =	sld [smem:$0x3FA6]  }
0x2a: {  	p0 =	seq.s32 s5, $0x0;
	s5 =	sld [smem:$0x3FA7]  }
0x2b: {  	s6 =	sld [smem:$0x3FA8]  }
0x2c: {  	s7 =	sld [smem:$0x3FA9]  }
0x2d: {  	s3 =	simm.s32 $0x108;
	s8 =	sld [smem:$0x3FAA]  }
0x2e: {  	s3 =	simm.s32 @!p0 $0x1082;
	s9 =	sld [smem:$0x3FAB]  }
0x2f: {  	lr =	sadd.s32 s0, s3;
	s0 =	sld [smem:$0x3FA2]  }
0x30: {  	s3 =	sld [smem:$0x3FA5]  }
0x31: {  	[smem:$0x3FAE] =	sst s10  }
0x32: {  	s10 =	sld [smem:$0x3FAC];
	_ =	sdelay $0x3  }
0x33: {  	p0 =	seq.s32 s10, $0x1;
	s10 =	sld [smem:$0x3FAE];
	_ =	sdelay $0x3  }
0x34: {  	[smem:$0x3FAE] =	sst s10  }
0x35: {  	s10 =	sld [smem:$0x3FAD];
	_ =	sdelay $0x3  }
0x36: {  	p1 =	seq.s32 s10, $0x1;
	s10 =	sld [smem:$0x3FAE];
	_ =	sdelay $0x3  }
0x37: {  	[smem:$0x3FAE] =	sst s10  }
0x38: {  	s10 =	sld [smem:$0x3FAF]  }
0x39: {  	_ = 	snop;
	(pc) =	sbr.ind lr, $3  }
0x3a: {  	_ = 	snop  }
0x3b: {  	_ = 	snop  }
0x3c: {  	p2 =	seq.s32 s10, $0x1;
	s10 =	sld [smem:$0x3FAE]  }
0x3d: {  	_ =	shalt  }
0x3e: {  	_ =	shalt  }
0x3f: {  	_ =	shalt  }
0x40: {  	_ =	shalt  }
0x41: {  	_ =	shalt  }
0x42: {  	_ =	shalt  }
0x43: {  	_ =	shalt  }
0x44: {  	_ =	shalt  }
0x45: {  	_ =	shalt  }
0x46: {  	_ =	shalt  }
0x47: {  	_ =	shalt  }
0x48: {  	_ =	shalt  }
0x49: {  	_ =	shalt  }
0x4a: {  	_ =	shalt  }
0x4b: {  	_ =	shalt  }
0x4c: {  	_ =	shalt  }
0x4d: {  	_ =	shalt  }
0x4e: {  	_ =	shalt  }
0x4f: {  	_ =	shalt  }
0x50: {  	_ =	shalt  }
0x51: {  	_ =	shalt  }
0x52: {  	_ =	shalt  }
0x53: {  	_ =	shalt  }
0x54: {  	_ =	shalt  }
0x55: {  	_ =	shalt  }
0x56: {  	_ =	shalt  }
0x57: {  	_ =	shalt  }
0x58: {  	_ =	shalt  }
0x59: {  	_ =	shalt  }
0x5a: {  	_ =	shalt  }
0x5b: {  	_ =	shalt  }
0x5c: {  	_ =	shalt  }
0x5d: {  	_ =	shalt  }
0x5e: {  	_ =	shalt  }
0x5f: {  	_ =	shalt  }
0x60: {  	_ =	shalt  }
0x61: {  	_ =	shalt  }
0x62: {  	_ =	shalt  }
0x63: {  	_ =	shalt  }
0x64: {  	_ =	shalt  }
0x65: {  	_ =	shalt  }
0x66: {  	_ =	shalt  }
0x67: {  	_ =	shalt  }
0x68: {  	_ =	shalt  }
0x69: {  	_ =	shalt  }
0x6a: {  	_ =	shalt  }
0x6b: {  	_ =	shalt  }
0x6c: {  	_ =	shalt  }
0x6d: {  	_ =	shalt  }
0x6e: {  	_ =	shalt  }
0x6f: {  	_ =	shalt  }
0x70: {  	_ =	shalt  }
0x71: {  	_ =	shalt  }
0x72: {  	_ =	shalt  }
0x73: {  	_ =	shalt  }
0x74: {  	_ =	shalt  }
0x75: {  	_ =	shalt  }
0x76: {  	_ =	shalt  }
0x77: {  	_ =	shalt  }
0x78: {  	_ =	shalt  }
0x79: {  	_ =	shalt  }
0x7a: {  	_ =	shalt  }
0x7b: {  	_ =	shalt  }
0x7c: {  	_ =	shalt  }
0x7d: {  	_ =	shalt  }
0x7e: {  	_ =	shalt  }
0x7f: {  	_ =	shalt  }
0x80: {  	_ =	shalt  }
0x81: {  	_ =	shalt  }
0x82: {  	_ =	shalt  }
0x83: {  	_ =	shalt  }
0x84: {  	_ =	shalt  }
0x85: {  	_ =	shalt  }
0x86: {  	_ =	shalt  }
0x87: {  	_ =	shalt  }
.Lfunc_end0:
.L_simem_size_0:
called_computation_lowered:
.L_overlay_start_0:
0x88: {  	s2 =	sld [smem:$0x3FD9]  }
0x89: {  	s3 =	sld [smem:$0x3FFE];
	_ =	sdelay $0x1  }
0x8a: {  	s1 =	srdreg.scid  }
0x8b: {  	s0 =	sand.u32 $0x1, s1  }
0x8c: {  	s17 =	sshll.u32 s0, $0xA;
	s2 =	sadd.s32 s3, s2  }
0x8d: {  	s2 =	sadd.s32 s2, s17  }
0x8e: {  	[smem:$0x3FBA] =	sst s2  }
0x8f: {  	_ = 	snop  }
0x90: {  	s2 =	sld [smem:$0x3FC9];
	(tm) =	ssettm $0x1  }
0x91: {  	s18 =	sld [smem:$0x3FFB];
	_ =	sdelay $0x3  }
0x92: {  	_ =	strace s18  }
0x93: {  	s3 =	sld [smem:$0x3FFC];
	_ =	sdelay $0x3  }
0x94: {  	_ =	strace s3  }
0x95: {  	s3 =	sld [smem:$0x3FFD];
	_ =	sdelay $0x3  }
0x96: {  	_ =	strace s3  }
0x97: {  	_ =	strace $0x8FFFFFFF  }
0x98: {  	s19 =	sld [smem:$0x3FDB];
	_ =	sdelay $0x1  }
0x99: {  	s4 =	simm.s32 $_scs_section_size  }
0x9a: {  	s5 =	simm.s32 $_size__tile_overlayer_lowered;
	s6 =	simm.s32 $_tile_overlayer_lowered  }
0x9b: {  	s22 =	simm.s32 $0x1BFF;
	s21 =	sshll.u32 s6, $0x1;
	s3 =	sadd.s32 s4, s19  }
0x9c: {  	s7 =	simm.s32 $0x0;
	s20 =	sshll.u32 s5, $0x1;
	s5 =	sadd.s32 s21, s3  }
0x9d: {  	[timem:s7], [sflag:s22] =	dma.local [hbm:s5], s20  }
0x9e: {  	_ =	swait.ge [sflag:s22], s20  }
0x9f: {  	s4 =	ssub.s32 $0x0, s20;
	[sflag:s22] =	ssyncset.done $0x0  }
0xa0: {  	[sflag:s22] =	ssyncadd.s32 s4;
	_ =	sdelay $0x1  }
0xa1: {  	s23 =	simm.s32 $0x1B8B  }
0xa2: {  	_ =	swait.ge [sflag:s23], $0x1  }
0xa3: {  	[sflag:s23] =	ssyncset.done $0x0  }
0xa4: {  	s25 =	simm.s32 $0x1B8E;
	s24 =	sld [smem:$0x3FFE];
	[sflag:s23] =	ssyncadd.s32 $0xFFFFFFFF  }
0xa5: {  	s26 =	simm.s32 $execute0_lowered;
	[smem:$0x3FD2] =	sst s25  }
0xa6: {  	s5 =	sshll.u32 s26, $0x1;
	_ =	strace $0x80000046;
	[dreg:$0x1] =	wrdreg $0xFFFFFFFF  }
0xa7: {  	s28 =	simm.s32 $_size_execute0_lowered;
	s3 =	sadd.s32 s3, s5;
	[dreg:$0x0] =	wrdreg $0x0  }
0xa8: {  	s5 =	sshll.u32 s28, $0x1;
	[dreg:$0x2] =	wrdreg s3  }
0xa9: {  	[dreg:$0x3] =	wrdreg s5  }
0xaa: {  	[dreg:$0x4] =	wrdreg $0xC0  }
0xab: {  	_ =	task [dreg:s7], $0x5FFFF  }
0xac: {  	[dreg:$0x1] =	wrdreg $0xFFFFFFFF  }
0xad: {  	[dreg:$0x0] =	wrdreg $0x60  }
0xae: {  	[dreg:$0x2] =	wrdreg s2  }
0xaf: {  	[dreg:$0x3] =	wrdreg s24  }
0xb0: {  	[dreg:$0x4] =	wrdreg $0xA8000  }
0xb1: {  	[dreg:$0x5] =	wrdreg $0x9  }
0xb2: {  	_ =	task.clear_ibuf [dreg:s7], $0x6FFFF;
	_ =	strace $0x90000046  }
0xb3: {  	s29 =	simm.s32 $0x9;
	_ =	strace $0x80000048  }
0xb4: {  	_ =	swait.ge [sflag:s29], $0x1  }
0xb5: {  	[sflag:s29] =	ssyncadd.s32 $0xFFFFFFFF  }
0xb6: {  	_ =	strace $0x90000048  }
0xb7: {  	_ =	sfence  }
0xb8: {  	s30 =	sld [smem:$0x0];
	_ =	sdelay $0x2  }
0xb9: {  	s31 =	sshll.u32 s1, $0xD;
	s1 =	sshrl.u32 s1, $0x2  }
0xba: {  	s3 =	sand.u32 $0x4000, s31;
	s1 =	sadd.s32 s1, s30  }
0xbb: {  	s0 =	sor.u32 s3, s0;
	s1 =	sshll.u32 s1, $0x11  }
0xbc: {  	s0 =	sor.u32 s1, s0  }
0xbd: {  	s0 =	sadd.s32 $0x8F2B, s0  }
0xbe: {  	[sflag:s0] =	ssyncadd.remote.s32 $0x1  }
0xbf: {  	_ =	sfence.sel $0xFFFF  }
0xc0: {  	[dreg:$0x0] =	wrdreg $0xFFFFFFFF;
	(pc) =	sbr.abs _section_cstart, $3  }
0xc1: {  	[dreg:$0x1] =	wrdreg $0xFFFFFFFF  }
0xc2: {  	_ =	task.clear_ibuf [dreg:s7], $0x2FFFF;
	_ =	strace $0x9FFFFFFF  }
0xc3: {  	(tm) =	ssettm $0x7FFFFFFF  }
tec
execute0_lowered:
.L_overlay_start_1:
0x0: {  	(tag) =	ssettag $0x1  }
0x1: {  	s1 =	rddreg [dreg:$0x0]  }
0x2: {  	s6 =	rddreg [dreg:$0x1]  }
0x3: {  	s2 =	rddreg [dreg:$0x2]  }
0x4: {  	s3 =	srdreg.scid;
	s0 =	rddreg [dreg:$0x3];
	s4 =	simm.s32 $0x0  }
0x5: {  	s16 =	simm.s32 $0x80;
	s17 =	simm.s32 $0x2800;
	s18 =	simm.s32 $0x6800  }
0x6: {  	s19 =	simm.s32 $0x1;
	s20 =	simm.s32 $0x2;
	s21 =	simm.s32 $0x2700  }
0x7: {  	s22 =	simm.s32 $0x2780;
	s7 =	sand.u32 $0x1, s3;
	s3 =	stileid.u32  }
0x8: {  	s23 =	simm.s32 $0x0;
	[smem:$0x7FF] =	sst s4;
	s5 =	smul.u32 $0x13C000, s7  }
0x9: {  	s9 =	sadd.s32 $0xC800, s6;
	s10 =	sadd.s32 $0x2800, s6;
	s8 =	smul.u32 $0x13C00, s3  }
0xa: {  	_ =	strace $0x80000047;
	s11 =	sshll.u32 s7, $0x4;
	s7 =	ssub.s32 $0x2, s7  }
0xb: {  	s12 =	smul.u32 $0x4F000, s3;
	s31 =	sshll.u32 s3, $0x6;
	s11 =	sor.u32 s3, s11  }
0xc: {  	s28 =	sshrl.u32 s7, $0x1;
	s8 =	sadd.s32 s8, s5;
	s5 =	sadd.s32 $0x16800, s6  }
0xd: {  	s29 =	smul.u32 $0x2800, s11;
	s14 =	ssub.s32 s7, s28;
	s30 =	sshrl.u32 s12, $0x2  }
0xe: {  	s8 =	sshrl.u32 s8, $0x3;
	s15 =	sadd.s32 s30, s2;
	s12 =	smax.u32 s14, $0x1  }
0xf: {  	s14 =	simm.s32 $0x3;
	s13 =	sadd.s32 s8, s6;
	s11 =	sshrl.u32 s29, $0x3  }
0x10: {  	s7 =	sadd.s32 s9, s11;
	s8 =	sadd.s32 s10, s11;
	s11 =	sadd.s32 $0x280, s11  }
0x11: {  	s6 =	sor.u32 $0x1C03, s31;
	s9 =	sadd.s32 s9, s11;
	s10 =	sadd.s32 s10, s11  }
0x12: {  	s11 =	sadd.s32 $0x19000, s13;
	s13 =	sshrl.u32 s15, $0x3;
	s15 =	simm.s32 $0x1400  }
.LBB2_1:
0x13: {  	[spmem:s13], [sflag:s6] =	dma.local [hbm:s5], $0x2780  }
0x14: {  	_ =	swait.ge [sflag:s14], $0x2780  }
0x15: {  	[sflag:s14] =	ssyncset.done $0x0  }
0x16: {  	[sflag:s14] =	ssyncadd.s32 $0xFFFFD880  }
0x17: {  	[bflag:$0x0] =	sbarrier.arrive $0xFFFF  }
0x18: {  	[tilespmem:s4], [sflag:$0x3] =	stream.linear.gather [hbm4b:s7+s4], $0x1400, $0x38;
	[tilespmem:$0x1E400] =	vst v63  }
0x19: {  	_ =	swait.ge [sflag:s14], $0x1400  }
0x1a: {  	[sflag:s14] =	ssyncset.done $0x0  }
0x1b: {  	[sflag:s14] =	ssyncadd.s32 $0xFFFFEC00  }
0x1c: {  	[tilespmem:s15], [sflag:$0x3] =	stream.linear.gather [hbm4b:s8+s4], $0x1400, $0x38;
	[tilespmem:$0x1E400] =	vst v63  }
0x1d: {  	_ =	swait.ge [sflag:s14], $0x1400  }
0x1e: {  	[sflag:s14] =	ssyncset.done $0x0  }
0x1f: {  	[sflag:s14] =	ssyncadd.s32 $0xFFFFEC00  }
0x20: {  	[tilespmem:s17], [sflag:$0x1] =	stream.indirect.gather [hbm4b:s1+s16], $0x80, s4, s16, $0xb8;
	[tilespmem:$0x1E400] =	vst v63  }
0x21: {  	_ = 	snop  }
0x22: {  	[tilespmem:s18], [sflag:$0x2] =	stream.indirect.gather [hbm4b:s1+s16], $0x80, s16, s16, $0xb8;
	[tilespmem:$0x1E400] =	vst v63  }
0x23: {  	_ =	swait.ge [sflag:s19], $0x4000  }
0x24: {  	[sflag:s19] =	ssyncset.done $0x0  }
0x25: {  	s24 =	simm.s32 $0x1400;
	[sflag:s19] =	ssyncadd.s32 $0xFFFFC000  }
0x26: {  	[spmem:s2] =	stream.indirect.scatter.add.f32 [tilespmem:s17], [sflag:$0x3], $0x80, s24, s16, $0xb8;
	[tilespmem:$0x1E400] =	vst v63  }
0x27: {  	_ =	swait.ge [sflag:s14], $0x4000  }
0x28: {  	[sflag:s14] =	ssyncset.done $0x0  }
0x29: {  	s30 =	simm.s32 $0x100;
	[sflag:s14] =	ssyncadd.s32 $0xFFFFC000  }
0x2a: {  	[tilespmem:s17], [sflag:$0x1] =	stream.indirect.gather [hbm4b:s1+s16], $0x80, s30, s16, $0xb8;
	[tilespmem:$0x1E400] =	vst v63  }
0x2b: {  	_ =	swait.ge [sflag:s20], $0x4000  }
0x2c: {  	[sflag:s20] =	ssyncset.done $0x0  }
0x2d: {  	s31 =	simm.s32 $0x1480;
	[sflag:s20] =	ssyncadd.s32 $0xFFFFC000  }
0x2e: {  	[spmem:s2] =	stream.indirect.scatter.add.f32 [tilespmem:s18], [sflag:$0x3], $0x80, s31, s16, $0xb8;
	[tilespmem:$0x1E400] =	vst v63  }
0x2f: {  	_ =	swait.ge [sflag:s14], $0x4000  }
0x30: {  	[sflag:s14] =	ssyncset.done $0x0  }
0x31: {  	s25 =	simm.s32 $0x180;
	s24 =	simm.s32 $0x400;
	[sflag:s14] =	ssyncadd.s32 $0xFFFFC000  }
.LBB2_2:
0x32: {  	[tilespmem:s18], [sflag:$0x2] =	stream.indirect.gather [hbm4b:s1+s16], $0x80, s25, s16, $0xb8;
	[tilespmem:$0x1E400] =	vst v63  }
0x33: {  	s25 =	smov.u32 s24  }
0x34: {  	p0 =	sne.s32 s24, $0x4800;
	s24 =	sadd.s32 $0x400, s24;
	_ =	swait.ge [sflag:s19], $0x4000  }
0x35: {  	s25 =	sshra.s32 s25, $0x2;
	[sflag:s19] =	ssyncset.done $0x0  }
0x36: {  	s26 =	sadd.s32 $0x1400, s25;
	[sflag:s19] =	ssyncadd.s32 $0xFFFFC000  }
0x37: {  	[spmem:s2] =	stream.indirect.scatter.add.f32 [tilespmem:s17], [sflag:$0x3], $0x80, s26, s16, $0xb8;
	[tilespmem:$0x1E400] =	vst v63  }
0x38: {  	_ =	swait.ge [sflag:s14], $0x4000  }
0x39: {  	[sflag:s14] =	ssyncset.done $0x0  }
0x3a: {  	s26 =	sadd.s32 $0x100, s25;
	[sflag:s14] =	ssyncadd.s32 $0xFFFFC000  }
0x3b: {  	[tilespmem:s17], [sflag:$0x1] =	stream.indirect.gather [hbm4b:s1+s16], $0x80, s26, s16, $0xb8;
	[tilespmem:$0x1E400] =	vst v63  }
0x3c: {  	_ =	swait.ge [sflag:s20], $0x4000  }
0x3d: {  	[sflag:s20] =	ssyncset.done $0x0  }
.Ltmp0:
0x3e: {  	s26 =	sadd.s32 $0x1480, s25;
	[sflag:s20] =	ssyncadd.s32 $0xFFFFC000;
	(pc) =	sbr.rel @p0 .LBB2_2-.Ltmp0, $4  }
0x3f: {  	[spmem:s2] =	stream.indirect.scatter.add.f32 [tilespmem:s18], [sflag:$0x3], $0x80, s26, s16, $0xb8;
	[tilespmem:$0x1E400] =	vst v63  }
0x40: {  	_ =	swait.ge [sflag:s14], $0x4000  }
0x41: {  	[sflag:s14] =	ssyncset.done $0x0  }
0x42: {  	s25 =	sadd.s32 $0x180, s25;
	[sflag:s14] =	ssyncadd.s32 $0xFFFFC000  }
0x43: {  	[tilespmem:s18], [sflag:$0x2] =	stream.indirect.gather [hbm4b:s1+s16], $0x80, s25, s16, $0xb8;
	[tilespmem:$0x1E400] =	vst v63  }
0x44: {  	_ =	swait.ge [sflag:s19], $0x4000  }
0x45: {  	[sflag:s19] =	ssyncset.done $0x0  }
0x46: {  	[sflag:s19] =	ssyncadd.s32 $0xFFFFC000  }
0x47: {  	[spmem:s2] =	stream.indirect.scatter.add.f32 [tilespmem:s17], [sflag:$0x3], $0x80, s21, s16, $0xb8;
	[tilespmem:$0x1E400] =	vst v63  }
0x48: {  	_ =	swait.ge [sflag:s14], $0x4000  }
0x49: {  	[sflag:s14] =	ssyncset.done $0x0  }
0x4a: {  	[sflag:s14] =	ssyncadd.s32 $0xFFFFC000  }
0x4b: {  	_ =	swait.ge [sflag:s20], $0x4000  }
0x4c: {  	[sflag:s20] =	ssyncset.done $0x0  }
0x4d: {  	[sflag:s20] =	ssyncadd.s32 $0xFFFFC000  }
0x4e: {  	[spmem:s2] =	stream.indirect.scatter.add.f32 [tilespmem:s18], [sflag:$0x3], $0x80, s22, s16, $0xb8;
	[tilespmem:$0x1E400] =	vst v63  }
0x4f: {  	_ =	swait.ge [sflag:s14], $0x4000  }
0x50: {  	[sflag:s14] =	ssyncset.done $0x0  }
0x51: {  	s24 =	simm.s32 $0x0;
	[sflag:s14] =	ssyncadd.s32 $0xFFFFC000  }
0x52: {  	[tilespmem:s24], [sflag:$0x3] =	stream.linear.gather [hbm4b:s9+s24], $0x1400, $0x38;
	[tilespmem:$0x1E400] =	vst v63  }
0x53: {  	_ =	swait.ge [sflag:s14], $0x1400  }
0x54: {  	[sflag:s14] =	ssyncset.done $0x0  }
0x55: {  	[sflag:s14] =	ssyncadd.s32 $0xFFFFEC00  }
0x56: {  	[tilespmem:s15], [sflag:$0x3] =	stream.linear.gather [hbm4b:s10+s24], $0x1400, $0x38;
	[tilespmem:$0x1E400] =	vst v63  }
0x57: {  	_ =	swait.ge [sflag:s14], $0x1400  }
0x58: {  	[sflag:s14] =	ssyncset.done $0x0  }
0x59: {  	[sflag:s14] =	ssyncadd.s32 $0xFFFFEC00  }
0x5a: {  	[tilespmem:s17], [sflag:$0x1] =	stream.indirect.gather [hbm4b:s1+s16], $0x80, s24, s16, $0xb8;
	[tilespmem:$0x1E400] =	vst v63  }
0x5b: {  	_ = 	snop  }
0x5c: {  	[tilespmem:s18], [sflag:$0x2] =	stream.indirect.gather [hbm4b:s1+s16], $0x80, s16, s16, $0xb8;
	[tilespmem:$0x1E400] =	vst v63  }
0x5d: {  	_ =	swait.ge [sflag:s19], $0x4000  }
0x5e: {  	[sflag:s19] =	ssyncset.done $0x0  }
0x5f: {  	s29 =	simm.s32 $0x1400;
	[sflag:s19] =	ssyncadd.s32 $0xFFFFC000  }
0x60: {  	[spmem:s2] =	stream.indirect.scatter.add.f32 [tilespmem:s17], [sflag:$0x3], $0x80, s29, s16, $0xb8;
	[tilespmem:$0x1E400] =	vst v63  }
0x61: {  	_ =	swait.ge [sflag:s14], $0x4000  }
0x62: {  	[sflag:s14] =	ssyncset.done $0x0  }
0x63: {  	s30 =	simm.s32 $0x100;
	[sflag:s14] =	ssyncadd.s32 $0xFFFFC000  }
0x64: {  	[tilespmem:s17], [sflag:$0x1] =	stream.indirect.gather [hbm4b:s1+s16], $0x80, s30, s16, $0xb8;
	[tilespmem:$0x1E400] =	vst v63  }
0x65: {  	_ =	swait.ge [sflag:s20], $0x4000  }
0x66: {  	[sflag:s20] =	ssyncset.done $0x0  }
0x67: {  	s31 =	simm.s32 $0x1480;
	[sflag:s20] =	ssyncadd.s32 $0xFFFFC000  }
0x68: {  	[spmem:s2] =	stream.indirect.scatter.add.f32 [tilespmem:s18], [sflag:$0x3], $0x80, s31, s16, $0xb8;
	[tilespmem:$0x1E400] =	vst v63  }
0x69: {  	_ =	swait.ge [sflag:s14], $0x4000  }
0x6a: {  	[sflag:s14] =	ssyncset.done $0x0  }
0x6b: {  	s25 =	simm.s32 $0x180;
	s24 =	simm.s32 $0x400;
	[sflag:s14] =	ssyncadd.s32 $0xFFFFC000  }
.LBB2_4:
0x6c: {  	[tilespmem:s18], [sflag:$0x2] =	stream.indirect.gather [hbm4b:s1+s16], $0x80, s25, s16, $0xb8;
	[tilespmem:$0x1E400] =	vst v63  }
0x6d: {  	s25 =	smov.u32 s24  }
0x6e: {  	p0 =	sne.s32 s24, $0x4800;
	s24 =	sadd.s32 $0x400, s24;
	_ =	swait.ge [sflag:s19], $0x4000  }
0x6f: {  	s25 =	sshra.s32 s25, $0x2;
	[sflag:s19] =	ssyncset.done $0x0  }
0x70: {  	s26 =	sadd.s32 $0x1400, s25;
	[sflag:s19] =	ssyncadd.s32 $0xFFFFC000  }
0x71: {  	[spmem:s2] =	stream.indirect.scatter.add.f32 [tilespmem:s17], [sflag:$0x3], $0x80, s26, s16, $0xb8;
	[tilespmem:$0x1E400] =	vst v63  }
0x72: {  	_ =	swait.ge [sflag:s14], $0x4000  }
0x73: {  	[sflag:s14] =	ssyncset.done $0x0  }
0x74: {  	s26 =	sadd.s32 $0x100, s25;
	[sflag:s14] =	ssyncadd.s32 $0xFFFFC000  }
0x75: {  	[tilespmem:s17], [sflag:$0x1] =	stream.indirect.gather [hbm4b:s1+s16], $0x80, s26, s16, $0xb8;
	[tilespmem:$0x1E400] =	vst v63  }
0x76: {  	_ =	swait.ge [sflag:s20], $0x4000  }
0x77: {  	[sflag:s20] =	ssyncset.done $0x0  }
.Ltmp1:
0x78: {  	s26 =	sadd.s32 $0x1480, s25;
	[sflag:s20] =	ssyncadd.s32 $0xFFFFC000;
	(pc) =	sbr.rel @p0 .LBB2_4-.Ltmp1, $4  }
0x79: {  	[spmem:s2] =	stream.indirect.scatter.add.f32 [tilespmem:s18], [sflag:$0x3], $0x80, s26, s16, $0xb8;
	[tilespmem:$0x1E400] =	vst v63  }
0x7a: {  	_ =	swait.ge [sflag:s14], $0x4000  }
0x7b: {  	[sflag:s14] =	ssyncset.done $0x0  }
0x7c: {  	s25 =	sadd.s32 $0x180, s25;
	[sflag:s14] =	ssyncadd.s32 $0xFFFFC000  }
0x7d: {  	[tilespmem:s18], [sflag:$0x2] =	stream.indirect.gather [hbm4b:s1+s16], $0x80, s25, s16, $0xb8;
	[tilespmem:$0x1E400] =	vst v63  }
0x7e: {  	_ =	swait.ge [sflag:s19], $0x4000  }
0x7f: {  	[sflag:s19] =	ssyncset.done $0x0  }
0x80: {  	[sflag:s19] =	ssyncadd.s32 $0xFFFFC000  }
0x81: {  	[spmem:s2] =	stream.indirect.scatter.add.f32 [tilespmem:s17], [sflag:$0x3], $0x80, s21, s16, $0xb8;
	[tilespmem:$0x1E400] =	vst v63  }
0x82: {  	_ =	swait.ge [sflag:s14], $0x4000  }
0x83: {  	[sflag:s14] =	ssyncset.done $0x0  }
0x84: {  	[sflag:s14] =	ssyncadd.s32 $0xFFFFC000  }
0x85: {  	_ =	swait.ge [sflag:s20], $0x4000  }
0x86: {  	[sflag:s20] =	ssyncset.done $0x0  }
0x87: {  	[sflag:s20] =	ssyncadd.s32 $0xFFFFC000  }
0x88: {  	[spmem:s2] =	stream.indirect.scatter.add.f32 [tilespmem:s18], [sflag:$0x3], $0x80, s22, s16, $0xb8;
	[tilespmem:$0x1E400] =	vst v63  }
0x89: {  	_ =	swait.ge [sflag:s14], $0x4000  }
0x8a: {  	s23 =	sadd.s32 $0x1, s23;
	[sflag:s14] =	ssyncset.done $0x0  }
0x8b: {  	p0 =	sne.s32 s23, s12;
	[sflag:s14] =	ssyncadd.s32 $0xFFFFC000  }
.Ltmp2:
0x8c: {  	[bflag:$0x0] =	sbarrier.arrive $0xFFFF;
	(pc) =	sbr.rel @p0 .LBB2_1-.Ltmp2, $4  }
0x8d: {  	[hbm:s11], [sflag:s6] =	dma.local [spmem:s13], $0x2780  }
0x8e: {  	_ =	swait.ge [sflag:s14], $0x2780  }
0x8f: {  	[sflag:s14] =	ssyncset.done $0x0  }
0x90: {  	[sflag:s14] =	ssyncadd.s32 $0xFFFFD880  }
0x91: {  	_ =	sfence.sel $0x180000  }
0x92: {  	[bflag:$0x0] =	sbarrier.arrive $0xFFFF  }
0x93: {  	p0 =	sne.s32 s3, $0x0;
	_ =	strace $0x90000047  }
0x94: {  	s0 =	sadd.s32 @!p0 $0x100000, s0;
	[bflag:$0x2] =	sbarrier.arrive $0xFFFF  }
0x95: {  	[sflag:s0] =	ssyncadd.tile.s32 @!p0 $0x1;
	_ =	shalt  }
.Lfunc_end2:
_tile_overlayer_lowered:
.L_overlay_start_2:
0x96: {  	(tag) =	ssettag $0x2  }
0x97: {  	s0 =	rddreg [dreg:$0x0];
	s2 =	stileid.u32  }
0x98: {  	s1 =	rddreg [dreg:$0x1];
	p0 =	sne.s32 s2, $0x0  }
0x99: {  	s3 =	rddreg [dreg:$0x2];
	[bflag:$0x3] =	sbarrier.arrive $0xFFFF;
	s2 =	simm.s32 @!p0 $0x1C03  }
0x9a: {  	[timem:s3], [sflag:s2] =	dma.local @!p0 [hbm:s0], s1  }
0x9b: {  	s0 =	simm.s32 @!p0 $0x3  }
0x9c: {  	_ =	swait.ge @!p0 [sflag:s0], s1  }
0x9d: {  	s1 =	ssub.s32 @!p0 $0x0, s1;
	[sflag:s0] =	ssyncset.done @!p0 $0x0  }
0x9e: {  	[sflag:s0] =	ssyncadd.s32 @!p0 s1  }
0x9f: {  	[bflag:$0x3] =	sbarrier.arrive $0xFFFF  }
0xa0: {  	_ =	shalt  }

// kernel: kernel.9.cloned.1.call-start
scs
__scs_entry_jumppad:
0x0: {  	(pc) =	sbr.rel $0x88, $3  }
0x1: {  	(tag) =	ssettag $0x0;
	lr =	simm.s32 $0x1  }
0x2: {  	[smem:$0x3F93] =	sst lr;
	_ =	strace $0xD0000000  }
0x3: {  	_ = 	snop  }
0x4: {  	_ = 	snop  }
0x5: {  	_ = 	snop  }
0x6: {  	_ = 	snop  }
0x7: {  	_ = 	snop  }
__scs_overlays_trampoline_lowered:
0x8: {  	[smem:$0x3FA2] =	sst s0  }
0x9: {  	[smem:$0x3FA3] =	sst s1  }
0xa: {  	[smem:$0x3FA4] =	sst s2  }
0xb: {  	[smem:$0x3FA5] =	sst s3  }
0xc: {  	[smem:$0x3FA6] =	sst s4  }
0xd: {  	[smem:$0x3FA7] =	sst s5  }
0xe: {  	[smem:$0x3FA8] =	sst s6  }
0xf: {  	[smem:$0x3FA9] =	sst s7  }
0x10: {  	[smem:$0x3FAA] =	sst s8  }
0x11: {  	[smem:$0x3FAB] =	sst s9;
	s0 =	simm.s32 @!p0 $0x0  }
0x12: {  	s1 =	sld [smem:$0x3F91];
	s0 =	simm.s32 @p0 $0x1  }
0x13: {  	[smem:$0x3FAC] =	sst s0;
	s0 =	simm.s32 @!p1 $0x0  }
0x14: {  	s2 =	sld [smem:$0x3F90];
	s0 =	simm.s32 @p1 $0x1  }
0x15: {  	[smem:$0x3FAD] =	sst s0;
	s0 =	simm.s32 @!p2 $0x0  }
0x16: {  	s3 =	sld [smem:$0x3FDB];
	s0 =	simm.s32 @p2 $0x1  }
0x17: {  	s4 =	simm.s32 $0x1BF5;
	[smem:$0x3FAF] =	sst s0  }
0x18: {  	s0 =	sld [smem:$0x3F92];
	_ =	swait.ge [sflag:s4], $0x0  }
0x19: {  	s7 =	sld [smem:$0x3F93]  }
0x1a: {  	s8 =	sadd.s32 $0xFFFFE003, lr  }
0x1b: {  	s9 =	sadd.s32 $0xFFFFFEF7, lr;
	s5 =	simm.s32 $0xFFFFFFFF;
	p2 =	slt.u32 s8, $0xFFFFF086  }
0x1c: {  	p1 =	slt.u32 s9, $0xF7A;
	s5 =	simm.s32 @!p2 $0x0  }
0x1d: {  	s5 =	simm.s32 @p1 $0x1;
	p0 =	seq.s32 s7, s2  }
0x1e: {  	s7 =	smul.u32 @!p0 $0xF7A, s2;
	p2 =	seq.s32 @!p0 s5, $0x0  }
0x1f: {  	s9 =	smul.u32 $0xF7A, s1;
	s8 =	simm.s32 @!p0 $0x1BF5;
	p2 =	por !p2, p0  }
0x20: {  	[sflag:s8] =	ssyncset.s32 @!p0 $0xFFFFF086;
	s6 =	sadd.s32 @!p0 s3, s7;
	s7 =	simm.s32 @!p0 $0x108  }
0x21: {  	s3 =	sadd.s32 s3, s9;
	s6 =	sadd.s32 @!p0 $0x88, s6;
	s7 =	simm.s32 @p2 $0x1082  }
0x22: {  	[simem:s7], [sflag:s8] =	dma.local @!p0 [hbm:s6], $0xF7A  }
0x23: {  	s9 =	sor.u32 $0xD0000000, s2;
	s6 =	simm.s32 $0x108;
	_ =	swait.ge @!p0 [sflag:s8], $0x0  }
0x24: {  	s3 =	sadd.s32 $0x88, s3;
	s6 =	simm.s32 @!p1 $0x1082;
	[sflag:s4] =	ssyncset.s32 $0xFFFFF086  }
0x25: {  	[simem:s6], [sflag:s4] =	dma.local [hbm:s3], $0xF7A  }
0x26: {  	[smem:$0x3F93] =	sst s1;
	(tag) =	ssettag s2;
	_ =	strace s9  }
0x27: {  	s1 =	sld [smem:$0x3FA3]  }
0x28: {  	s2 =	sld [smem:$0x3FA4]  }
0x29: {  	s4 =	sld [smem:$0x3FA6]  }
0x2a: {  	p0 =	seq.s32 s5, $0x0;
	s5 =	sld [smem:$0x3FA7]  }
0x2b: {  	s6 =	sld [smem:$0x3FA8]  }
0x2c: {  	s7 =	sld [smem:$0x3FA9]  }
0x2d: {  	s3 =	simm.s32 $0x108;
	s8 =	sld [smem:$0x3FAA]  }
0x2e: {  	s3 =	simm.s32 @!p0 $0x1082;
	s9 =	sld [smem:$0x3FAB]  }
0x2f: {  	lr =	sadd.s32 s0, s3;
	s0 =	sld [smem:$0x3FA2]  }
0x30: {  	s3 =	sld [smem:$0x3FA5]  }
0x31: {  	[smem:$0x3FAE] =	sst s10  }
0x32: {  	s10 =	sld [smem:$0x3FAC];
	_ =	sdelay $0x3  }
0x33: {  	p0 =	seq.s32 s10, $0x1;
	s10 =	sld [smem:$0x3FAE];
	_ =	sdelay $0x3  }
0x34: {  	[smem:$0x3FAE] =	sst s10  }
0x35: {  	s10 =	sld [smem:$0x3FAD];
	_ =	sdelay $0x3  }
0x36: {  	p1 =	seq.s32 s10, $0x1;
	s10 =	sld [smem:$0x3FAE];
	_ =	sdelay $0x3  }
0x37: {  	[smem:$0x3FAE] =	sst s10  }
0x38: {  	s10 =	sld [smem:$0x3FAF]  }
0x39: {  	_ = 	snop;
	(pc) =	sbr.ind lr, $3  }
0x3a: {  	_ = 	snop  }
0x3b: {  	_ = 	snop  }
0x3c: {  	p2 =	seq.s32 s10, $0x1;
	s10 =	sld [smem:$0x3FAE]  }
0x3d: {  	_ =	shalt  }
0x3e: {  	_ =	shalt  }
0x3f: {  	_ =	shalt  }
0x40: {  	_ =	shalt  }
0x41: {  	_ =	shalt  }
0x42: {  	_ =	shalt  }
0x43: {  	_ =	shalt  }
0x44: {  	_ =	shalt  }
0x45: {  	_ =	shalt  }
0x46: {  	_ =	shalt  }
0x47: {  	_ =	shalt  }
0x48: {  	_ =	shalt  }
0x49: {  	_ =	shalt  }
0x4a: {  	_ =	shalt  }
0x4b: {  	_ =	shalt  }
0x4c: {  	_ =	shalt  }
0x4d: {  	_ =	shalt  }
0x4e: {  	_ =	shalt  }
0x4f: {  	_ =	shalt  }
0x50: {  	_ =	shalt  }
0x51: {  	_ =	shalt  }
0x52: {  	_ =	shalt  }
0x53: {  	_ =	shalt  }
0x54: {  	_ =	shalt  }
0x55: {  	_ =	shalt  }
0x56: {  	_ =	shalt  }
0x57: {  	_ =	shalt  }
0x58: {  	_ =	shalt  }
0x59: {  	_ =	shalt  }
0x5a: {  	_ =	shalt  }
0x5b: {  	_ =	shalt  }
0x5c: {  	_ =	shalt  }
0x5d: {  	_ =	shalt  }
0x5e: {  	_ =	shalt  }
0x5f: {  	_ =	shalt  }
0x60: {  	_ =	shalt  }
0x61: {  	_ =	shalt  }
0x62: {  	_ =	shalt  }
0x63: {  	_ =	shalt  }
0x64: {  	_ =	shalt  }
0x65: {  	_ =	shalt  }
0x66: {  	_ =	shalt  }
0x67: {  	_ =	shalt  }
0x68: {  	_ =	shalt  }
0x69: {  	_ =	shalt  }
0x6a: {  	_ =	shalt  }
0x6b: {  	_ =	shalt  }
0x6c: {  	_ =	shalt  }
0x6d: {  	_ =	shalt  }
0x6e: {  	_ =	shalt  }
0x6f: {  	_ =	shalt  }
0x70: {  	_ =	shalt  }
0x71: {  	_ =	shalt  }
0x72: {  	_ =	shalt  }
0x73: {  	_ =	shalt  }
0x74: {  	_ =	shalt  }
0x75: {  	_ =	shalt  }
0x76: {  	_ =	shalt  }
0x77: {  	_ =	shalt  }
0x78: {  	_ =	shalt  }
0x79: {  	_ =	shalt  }
0x7a: {  	_ =	shalt  }
0x7b: {  	_ =	shalt  }
0x7c: {  	_ =	shalt  }
0x7d: {  	_ =	shalt  }
0x7e: {  	_ =	shalt  }
0x7f: {  	_ =	shalt  }
0x80: {  	_ =	shalt  }
0x81: {  	_ =	shalt  }
0x82: {  	_ =	shalt  }
0x83: {  	_ =	shalt  }
0x84: {  	_ =	shalt  }
0x85: {  	_ =	shalt  }
0x86: {  	_ =	shalt  }
0x87: {  	_ =	shalt  }
.Lfunc_end0:
.L_simem_size_0:
called_computation.1_lowered:
.L_overlay_start_0:
0x88: {  	s2 =	sld [smem:$0x3FD9]  }
0x89: {  	s3 =	sld [smem:$0x3FFE];
	_ =	sdelay $0x1  }
0x8a: {  	s1 =	srdreg.scid  }
0x8b: {  	s0 =	sand.u32 $0x1, s1  }
0x8c: {  	s17 =	sshll.u32 s0, $0xA;
	s2 =	sadd.s32 s3, s2  }
0x8d: {  	s2 =	sadd.s32 s2, s17  }
0x8e: {  	[smem:$0x3FBA] =	sst s2  }
0x8f: {  	_ = 	snop  }
0x90: {  	s2 =	sld [smem:$0x3FD0];
	(tm) =	ssettm $0x1  }
0x91: {  	s18 =	sld [smem:$0x3FFB];
	_ =	sdelay $0x3  }
0x92: {  	_ =	strace s18  }
0x93: {  	s3 =	sld [smem:$0x3FFC];
	_ =	sdelay $0x3  }
0x94: {  	_ =	strace s3  }
0x95: {  	s3 =	sld [smem:$0x3FFD];
	_ =	sdelay $0x3  }
0x96: {  	_ =	strace s3  }
0x97: {  	_ =	strace $0x8FFFFFFF  }
0x98: {  	s19 =	sld [smem:$0x3FDB];
	_ =	sdelay $0x1  }
0x99: {  	s4 =	simm.s32 $_scs_section_size  }
0x9a: {  	s5 =	simm.s32 $_size__tile_overlayer_lowered;
	s6 =	simm.s32 $_tile_overlayer_lowered  }
0x9b: {  	s22 =	simm.s32 $0x1BFF;
	s21 =	sshll.u32 s6, $0x1;
	s3 =	sadd.s32 s4, s19  }
0x9c: {  	s7 =	simm.s32 $0x0;
	s20 =	sshll.u32 s5, $0x1;
	s5 =	sadd.s32 s21, s3  }
0x9d: {  	[timem:s7], [sflag:s22] =	dma.local [hbm:s5], s20  }
0x9e: {  	_ =	swait.ge [sflag:s22], s20  }
0x9f: {  	s4 =	ssub.s32 $0x0, s20;
	[sflag:s22] =	ssyncset.done $0x0  }
0xa0: {  	[sflag:s22] =	ssyncadd.s32 s4;
	_ =	sdelay $0x1  }
0xa1: {  	s23 =	simm.s32 $0x1B8B  }
0xa2: {  	_ =	swait.ge [sflag:s23], $0x1  }
0xa3: {  	[sflag:s23] =	ssyncset.done $0x0  }
0xa4: {  	s25 =	simm.s32 $0x1B8E;
	s24 =	sld [smem:$0x3FFE];
	[sflag:s23] =	ssyncadd.s32 $0xFFFFFFFF  }
0xa5: {  	s26 =	simm.s32 $execute0_lowered;
	[smem:$0x3FD2] =	sst s25  }
0xa6: {  	s5 =	sshll.u32 s26, $0x1;
	_ =	strace $0x80000049;
	[dreg:$0x1] =	wrdreg $0xFFFFFFFF  }
0xa7: {  	s28 =	simm.s32 $_size_execute0_lowered;
	s3 =	sadd.s32 s3, s5;
	[dreg:$0x0] =	wrdreg $0x0  }
0xa8: {  	s5 =	sshll.u32 s28, $0x1;
	[dreg:$0x2] =	wrdreg s3  }
0xa9: {  	[dreg:$0x3] =	wrdreg s5  }
0xaa: {  	[dreg:$0x4] =	wrdreg $0xC0  }
0xab: {  	_ =	task [dreg:s7], $0x5FFFF  }
0xac: {  	[dreg:$0x1] =	wrdreg $0xFFFFFFFF  }
0xad: {  	[dreg:$0x0] =	wrdreg $0x60  }
0xae: {  	[dreg:$0x2] =	wrdreg s2  }
0xaf: {  	[dreg:$0x3] =	wrdreg s24  }
0xb0: {  	[dreg:$0x4] =	wrdreg $0xA8000  }
0xb1: {  	[dreg:$0x5] =	wrdreg $0x9  }
0xb2: {  	_ =	task.clear_ibuf [dreg:s7], $0x6FFFF;
	_ =	strace $0x90000049  }
0xb3: {  	s29 =	simm.s32 $0x9;
	_ =	strace $0x8000004B  }
0xb4: {  	_ =	swait.ge [sflag:s29], $0x1  }
0xb5: {  	[sflag:s29] =	ssyncadd.s32 $0xFFFFFFFF  }
0xb6: {  	_ =	strace $0x9000004B  }
0xb7: {  	_ =	sfence  }
0xb8: {  	s30 =	sld [smem:$0x0];
	_ =	sdelay $0x2  }
0xb9: {  	s31 =	sshll.u32 s1, $0xD;
	s1 =	sshrl.u32 s1, $0x2  }
0xba: {  	s3 =	sand.u32 $0x4000, s31;
	s1 =	sadd.s32 s1, s30  }
0xbb: {  	s0 =	sor.u32 s3, s0;
	s1 =	sshll.u32 s1, $0x11  }
0xbc: {  	s0 =	sor.u32 s1, s0  }
0xbd: {  	s0 =	sadd.s32 $0x8F2B, s0  }
0xbe: {  	[sflag:s0] =	ssyncadd.remote.s32 $0x1  }
0xbf: {  	_ =	sfence.sel $0xFFFF  }
0xc0: {  	[dreg:$0x0] =	wrdreg $0xFFFFFFFF;
	(pc) =	sbr.abs _section_cstart, $3  }
0xc1: {  	[dreg:$0x1] =	wrdreg $0xFFFFFFFF  }
0xc2: {  	_ =	task.clear_ibuf [dreg:s7], $0x2FFFF;
	_ =	strace $0x9FFFFFFF  }
0xc3: {  	(tm) =	ssettm $0x7FFFFFFF  }
tec
execute0_lowered:
.L_overlay_start_1:
0x0: {  	(tag) =	ssettag $0x1  }
0x1: {  	s1 =	rddreg [dreg:$0x0]  }
0x2: {  	s6 =	rddreg [dreg:$0x1]  }
0x3: {  	s2 =	rddreg [dreg:$0x2]  }
0x4: {  	s3 =	srdreg.scid;
	s0 =	rddreg [dreg:$0x3];
	s4 =	simm.s32 $0x0  }
0x5: {  	s16 =	simm.s32 $0x80;
	s17 =	simm.s32 $0x2800;
	s18 =	simm.s32 $0x6800  }
0x6: {  	s19 =	simm.s32 $0x1;
	s20 =	simm.s32 $0x2;
	s21 =	simm.s32 $0x2700  }
0x7: {  	s22 =	simm.s32 $0x2780;
	s7 =	sand.u32 $0x1, s3;
	s3 =	stileid.u32  }
0x8: {  	s23 =	simm.s32 $0x0;
	[smem:$0x7FF] =	sst s4;
	s5 =	smul.u32 $0x13C000, s7  }
0x9: {  	s9 =	sadd.s32 $0xC800, s6;
	s10 =	sadd.s32 $0x2800, s6;
	s8 =	smul.u32 $0x13C00, s3  }
0xa: {  	_ =	strace $0x8000004A;
	s11 =	sshll.u32 s7, $0x4;
	s7 =	ssub.s32 $0x2, s7  }
0xb: {  	s12 =	smul.u32 $0x4F000, s3;
	s31 =	sshll.u32 s3, $0x6;
	s11 =	sor.u32 s3, s11  }
0xc: {  	s28 =	sshrl.u32 s7, $0x1;
	s8 =	sadd.s32 s8, s5;
	s5 =	sadd.s32 $0x16800, s6  }
0xd: {  	s29 =	smul.u32 $0x2800, s11;
	s14 =	ssub.s32 s7, s28;
	s30 =	sshrl.u32 s12, $0x2  }
0xe: {  	s8 =	sshrl.u32 s8, $0x3;
	s15 =	sadd.s32 s30, s2;
	s12 =	smax.u32 s14, $0x1  }
0xf: {  	s14 =	simm.s32 $0x3;
	s13 =	sadd.s32 s8, s6;
	s11 =	sshrl.u32 s29, $0x3  }
0x10: {  	s7 =	sadd.s32 s9, s11;
	s8 =	sadd.s32 s10, s11;
	s11 =	sadd.s32 $0x280, s11  }
0x11: {  	s6 =	sor.u32 $0x1C03, s31;
	s9 =	sadd.s32 s9, s11;
	s10 =	sadd.s32 s10, s11  }
0x12: {  	s11 =	sadd.s32 $0x19000, s13;
	s13 =	sshrl.u32 s15, $0x3;
	s15 =	simm.s32 $0x1400  }
.LBB2_1:
0x13: {  	[spmem:s13], [sflag:s6] =	dma.local [hbm:s5], $0x2780  }
0x14: {  	_ =	swait.ge [sflag:s14], $0x2780  }
0x15: {  	[sflag:s14] =	ssyncset.done $0x0  }
0x16: {  	[sflag:s14] =	ssyncadd.s32 $0xFFFFD880  }
0x17: {  	[bflag:$0x0] =	sbarrier.arrive $0xFFFF  }
0x18: {  	[tilespmem:s4], [sflag:$0x3] =	stream.linear.gather [hbm4b:s7+s4], $0x1400, $0x38;
	[tilespmem:$0x1E400] =	vst v63  }
0x19: {  	_ =	swait.ge [sflag:s14], $0x1400  }
0x1a: {  	[sflag:s14] =	ssyncset.done $0x0  }
0x1b: {  	[sflag:s14] =	ssyncadd.s32 $0xFFFFEC00  }
0x1c: {  	[tilespmem:s15], [sflag:$0x3] =	stream.linear.gather [hbm4b:s8+s4], $0x1400, $0x38;
	[tilespmem:$0x1E400] =	vst v63  }
0x1d: {  	_ =	swait.ge [sflag:s14], $0x1400  }
0x1e: {  	[sflag:s14] =	ssyncset.done $0x0  }
0x1f: {  	[sflag:s14] =	ssyncadd.s32 $0xFFFFEC00  }
0x20: {  	[tilespmem:s17], [sflag:$0x1] =	stream.indirect.gather [hbm4b:s1+s16], $0x80, s4, s16, $0xb8;
	[tilespmem:$0x1E400] =	vst v63  }
0x21: {  	_ = 	snop  }
0x22: {  	[tilespmem:s18], [sflag:$0x2] =	stream.indirect.gather [hbm4b:s1+s16], $0x80, s16, s16, $0xb8;
	[tilespmem:$0x1E400] =	vst v63  }
0x23: {  	_ =	swait.ge [sflag:s19], $0x4000  }
0x24: {  	[sflag:s19] =	ssyncset.done $0x0  }
0x25: {  	s24 =	simm.s32 $0x1400;
	[sflag:s19] =	ssyncadd.s32 $0xFFFFC000  }
0x26: {  	[spmem:s2] =	stream.indirect.scatter.add.f32 [tilespmem:s17], [sflag:$0x3], $0x80, s24, s16, $0xb8;
	[tilespmem:$0x1E400] =	vst v63  }
0x27: {  	_ =	swait.ge [sflag:s14], $0x4000  }
0x28: {  	[sflag:s14] =	ssyncset.done $0x0  }
0x29: {  	s30 =	simm.s32 $0x100;
	[sflag:s14] =	ssyncadd.s32 $0xFFFFC000  }
0x2a: {  	[tilespmem:s17], [sflag:$0x1] =	stream.indirect.gather [hbm4b:s1+s16], $0x80, s30, s16, $0xb8;
	[tilespmem:$0x1E400] =	vst v63  }
0x2b: {  	_ =	swait.ge [sflag:s20], $0x4000  }
0x2c: {  	[sflag:s20] =	ssyncset.done $0x0  }
0x2d: {  	s31 =	simm.s32 $0x1480;
	[sflag:s20] =	ssyncadd.s32 $0xFFFFC000  }
0x2e: {  	[spmem:s2] =	stream.indirect.scatter.add.f32 [tilespmem:s18], [sflag:$0x3], $0x80, s31, s16, $0xb8;
	[tilespmem:$0x1E400] =	vst v63  }
0x2f: {  	_ =	swait.ge [sflag:s14], $0x4000  }
0x30: {  	[sflag:s14] =	ssyncset.done $0x0  }
0x31: {  	s25 =	simm.s32 $0x180;
	s24 =	simm.s32 $0x400;
	[sflag:s14] =	ssyncadd.s32 $0xFFFFC000  }
.LBB2_2:
0x32: {  	[tilespmem:s18], [sflag:$0x2] =	stream.indirect.gather [hbm4b:s1+s16], $0x80, s25, s16, $0xb8;
	[tilespmem:$0x1E400] =	vst v63  }
0x33: {  	s25 =	smov.u32 s24  }
0x34: {  	p0 =	sne.s32 s24, $0x4800;
	s24 =	sadd.s32 $0x400, s24;
	_ =	swait.ge [sflag:s19], $0x4000  }
0x35: {  	s25 =	sshra.s32 s25, $0x2;
	[sflag:s19] =	ssyncset.done $0x0  }
0x36: {  	s26 =	sadd.s32 $0x1400, s25;
	[sflag:s19] =	ssyncadd.s32 $0xFFFFC000  }
0x37: {  	[spmem:s2] =	stream.indirect.scatter.add.f32 [tilespmem:s17], [sflag:$0x3], $0x80, s26, s16, $0xb8;
	[tilespmem:$0x1E400] =	vst v63  }
0x38: {  	_ =	swait.ge [sflag:s14], $0x4000  }
0x39: {  	[sflag:s14] =	ssyncset.done $0x0  }
0x3a: {  	s26 =	sadd.s32 $0x100, s25;
	[sflag:s14] =	ssyncadd.s32 $0xFFFFC000  }
0x3b: {  	[tilespmem:s17], [sflag:$0x1] =	stream.indirect.gather [hbm4b:s1+s16], $0x80, s26, s16, $0xb8;
	[tilespmem:$0x1E400] =	vst v63  }
0x3c: {  	_ =	swait.ge [sflag:s20], $0x4000  }
0x3d: {  	[sflag:s20] =	ssyncset.done $0x0  }
.Ltmp0:
0x3e: {  	s26 =	sadd.s32 $0x1480, s25;
	[sflag:s20] =	ssyncadd.s32 $0xFFFFC000;
	(pc) =	sbr.rel @p0 .LBB2_2-.Ltmp0, $4  }
0x3f: {  	[spmem:s2] =	stream.indirect.scatter.add.f32 [tilespmem:s18], [sflag:$0x3], $0x80, s26, s16, $0xb8;
	[tilespmem:$0x1E400] =	vst v63  }
0x40: {  	_ =	swait.ge [sflag:s14], $0x4000  }
0x41: {  	[sflag:s14] =	ssyncset.done $0x0  }
0x42: {  	s25 =	sadd.s32 $0x180, s25;
	[sflag:s14] =	ssyncadd.s32 $0xFFFFC000  }
0x43: {  	[tilespmem:s18], [sflag:$0x2] =	stream.indirect.gather [hbm4b:s1+s16], $0x80, s25, s16, $0xb8;
	[tilespmem:$0x1E400] =	vst v63  }
0x44: {  	_ =	swait.ge [sflag:s19], $0x4000  }
0x45: {  	[sflag:s19] =	ssyncset.done $0x0  }
0x46: {  	[sflag:s19] =	ssyncadd.s32 $0xFFFFC000  }
0x47: {  	[spmem:s2] =	stream.indirect.scatter.add.f32 [tilespmem:s17], [sflag:$0x3], $0x80, s21, s16, $0xb8;
	[tilespmem:$0x1E400] =	vst v63  }
0x48: {  	_ =	swait.ge [sflag:s14], $0x4000  }
0x49: {  	[sflag:s14] =	ssyncset.done $0x0  }
0x4a: {  	[sflag:s14] =	ssyncadd.s32 $0xFFFFC000  }
0x4b: {  	_ =	swait.ge [sflag:s20], $0x4000  }
0x4c: {  	[sflag:s20] =	ssyncset.done $0x0  }
0x4d: {  	[sflag:s20] =	ssyncadd.s32 $0xFFFFC000  }
0x4e: {  	[spmem:s2] =	stream.indirect.scatter.add.f32 [tilespmem:s18], [sflag:$0x3], $0x80, s22, s16, $0xb8;
	[tilespmem:$0x1E400] =	vst v63  }
0x4f: {  	_ =	swait.ge [sflag:s14], $0x4000  }
0x50: {  	[sflag:s14] =	ssyncset.done $0x0  }
0x51: {  	s24 =	simm.s32 $0x0;
	[sflag:s14] =	ssyncadd.s32 $0xFFFFC000  }
0x52: {  	[tilespmem:s24], [sflag:$0x3] =	stream.linear.gather [hbm4b:s9+s24], $0x1400, $0x38;
	[tilespmem:$0x1E400] =	vst v63  }
0x53: {  	_ =	swait.ge [sflag:s14], $0x1400  }
0x54: {  	[sflag:s14] =	ssyncset.done $0x0  }
0x55: {  	[sflag:s14] =	ssyncadd.s32 $0xFFFFEC00  }
0x56: {  	[tilespmem:s15], [sflag:$0x3] =	stream.linear.gather [hbm4b:s10+s24], $0x1400, $0x38;
	[tilespmem:$0x1E400] =	vst v63  }
0x57: {  	_ =	swait.ge [sflag:s14], $0x1400  }
0x58: {  	[sflag:s14] =	ssyncset.done $0x0  }
0x59: {  	[sflag:s14] =	ssyncadd.s32 $0xFFFFEC00  }
0x5a: {  	[tilespmem:s17], [sflag:$0x1] =	stream.indirect.gather [hbm4b:s1+s16], $0x80, s24, s16, $0xb8;
	[tilespmem:$0x1E400] =	vst v63  }
0x5b: {  	_ = 	snop  }
0x5c: {  	[tilespmem:s18], [sflag:$0x2] =	stream.indirect.gather [hbm4b:s1+s16], $0x80, s16, s16, $0xb8;
	[tilespmem:$0x1E400] =	vst v63  }
0x5d: {  	_ =	swait.ge [sflag:s19], $0x4000  }
0x5e: {  	[sflag:s19] =	ssyncset.done $0x0  }
0x5f: {  	s29 =	simm.s32 $0x1400;
	[sflag:s19] =	ssyncadd.s32 $0xFFFFC000  }
0x60: {  	[spmem:s2] =	stream.indirect.scatter.add.f32 [tilespmem:s17], [sflag:$0x3], $0x80, s29, s16, $0xb8;
	[tilespmem:$0x1E400] =	vst v63  }
0x61: {  	_ =	swait.ge [sflag:s14], $0x4000  }
0x62: {  	[sflag:s14] =	ssyncset.done $0x0  }
0x63: {  	s30 =	simm.s32 $0x100;
	[sflag:s14] =	ssyncadd.s32 $0xFFFFC000  }
0x64: {  	[tilespmem:s17], [sflag:$0x1] =	stream.indirect.gather [hbm4b:s1+s16], $0x80, s30, s16, $0xb8;
	[tilespmem:$0x1E400] =	vst v63  }
0x65: {  	_ =	swait.ge [sflag:s20], $0x4000  }
0x66: {  	[sflag:s20] =	ssyncset.done $0x0  }
0x67: {  	s31 =	simm.s32 $0x1480;
	[sflag:s20] =	ssyncadd.s32 $0xFFFFC000  }
0x68: {  	[spmem:s2] =	stream.indirect.scatter.add.f32 [tilespmem:s18], [sflag:$0x3], $0x80, s31, s16, $0xb8;
	[tilespmem:$0x1E400] =	vst v63  }
0x69: {  	_ =	swait.ge [sflag:s14], $0x4000  }
0x6a: {  	[sflag:s14] =	ssyncset.done $0x0  }
0x6b: {  	s25 =	simm.s32 $0x180;
	s24 =	simm.s32 $0x400;
	[sflag:s14] =	ssyncadd.s32 $0xFFFFC000  }
.LBB2_4:
0x6c: {  	[tilespmem:s18], [sflag:$0x2] =	stream.indirect.gather [hbm4b:s1+s16], $0x80, s25, s16, $0xb8;
	[tilespmem:$0x1E400] =	vst v63  }
0x6d: {  	s25 =	smov.u32 s24  }
0x6e: {  	p0 =	sne.s32 s24, $0x4800;
	s24 =	sadd.s32 $0x400, s24;
	_ =	swait.ge [sflag:s19], $0x4000  }
0x6f: {  	s25 =	sshra.s32 s25, $0x2;
	[sflag:s19] =	ssyncset.done $0x0  }
0x70: {  	s26 =	sadd.s32 $0x1400, s25;
	[sflag:s19] =	ssyncadd.s32 $0xFFFFC000  }
0x71: {  	[spmem:s2] =	stream.indirect.scatter.add.f32 [tilespmem:s17], [sflag:$0x3], $0x80, s26, s16, $0xb8;
	[tilespmem:$0x1E400] =	vst v63  }
0x72: {  	_ =	swait.ge [sflag:s14], $0x4000  }
0x73: {  	[sflag:s14] =	ssyncset.done $0x0  }
0x74: {  	s26 =	sadd.s32 $0x100, s25;
	[sflag:s14] =	ssyncadd.s32 $0xFFFFC000  }
0x75: {  	[tilespmem:s17], [sflag:$0x1] =	stream.indirect.gather [hbm4b:s1+s16], $0x80, s26, s16, $0xb8;
	[tilespmem:$0x1E400] =	vst v63  }
0x76: {  	_ =	swait.ge [sflag:s20], $0x4000  }
0x77: {  	[sflag:s20] =	ssyncset.done $0x0  }
.Ltmp1:
0x78: {  	s26 =	sadd.s32 $0x1480, s25;
	[sflag:s20] =	ssyncadd.s32 $0xFFFFC000;
	(pc) =	sbr.rel @p0 .LBB2_4-.Ltmp1, $4  }
0x79: {  	[spmem:s2] =	stream.indirect.scatter.add.f32 [tilespmem:s18], [sflag:$0x3], $0x80, s26, s16, $0xb8;
	[tilespmem:$0x1E400] =	vst v63  }
0x7a: {  	_ =	swait.ge [sflag:s14], $0x4000  }
0x7b: {  	[sflag:s14] =	ssyncset.done $0x0  }
0x7c: {  	s25 =	sadd.s32 $0x180, s25;
	[sflag:s14] =	ssyncadd.s32 $0xFFFFC000  }
0x7d: {  	[tilespmem:s18], [sflag:$0x2] =	stream.indirect.gather [hbm4b:s1+s16], $0x80, s25, s16, $0xb8;
	[tilespmem:$0x1E400] =	vst v63  }
0x7e: {  	_ =	swait.ge [sflag:s19], $0x4000  }
0x7f: {  	[sflag:s19] =	ssyncset.done $0x0  }
0x80: {  	[sflag:s19] =	ssyncadd.s32 $0xFFFFC000  }
0x81: {  	[spmem:s2] =	stream.indirect.scatter.add.f32 [tilespmem:s17], [sflag:$0x3], $0x80, s21, s16, $0xb8;
	[tilespmem:$0x1E400] =	vst v63  }
0x82: {  	_ =	swait.ge [sflag:s14], $0x4000  }
0x83: {  	[sflag:s14] =	ssyncset.done $0x0  }
0x84: {  	[sflag:s14] =	ssyncadd.s32 $0xFFFFC000  }
0x85: {  	_ =	swait.ge [sflag:s20], $0x4000  }
0x86: {  	[sflag:s20] =	ssyncset.done $0x0  }
0x87: {  	[sflag:s20] =	ssyncadd.s32 $0xFFFFC000  }
0x88: {  	[spmem:s2] =	stream.indirect.scatter.add.f32 [tilespmem:s18], [sflag:$0x3], $0x80, s22, s16, $0xb8;
	[tilespmem:$0x1E400] =	vst v63  }
0x89: {  	_ =	swait.ge [sflag:s14], $0x4000  }
0x8a: {  	s23 =	sadd.s32 $0x1, s23;
	[sflag:s14] =	ssyncset.done $0x0  }
0x8b: {  	p0 =	sne.s32 s23, s12;
	[sflag:s14] =	ssyncadd.s32 $0xFFFFC000  }
.Ltmp2:
0x8c: {  	[bflag:$0x0] =	sbarrier.arrive $0xFFFF;
	(pc) =	sbr.rel @p0 .LBB2_1-.Ltmp2, $4  }
0x8d: {  	[hbm:s11], [sflag:s6] =	dma.local [spmem:s13], $0x2780  }
0x8e: {  	_ =	swait.ge [sflag:s14], $0x2780  }
0x8f: {  	[sflag:s14] =	ssyncset.done $0x0  }
0x90: {  	[sflag:s14] =	ssyncadd.s32 $0xFFFFD880  }
0x91: {  	_ =	sfence.sel $0x180000  }
0x92: {  	[bflag:$0x0] =	sbarrier.arrive $0xFFFF  }
0x93: {  	p0 =	sne.s32 s3, $0x0;
	_ =	strace $0x9000004A  }
0x94: {  	s0 =	sadd.s32 @!p0 $0x100000, s0;
	[bflag:$0x2] =	sbarrier.arrive $0xFFFF  }
0x95: {  	[sflag:s0] =	ssyncadd.tile.s32 @!p0 $0x1;
	_ =	shalt  }
.Lfunc_end2:
_tile_overlayer_lowered:
.L_overlay_start_2:
0x96: {  	(tag) =	ssettag $0x2  }
0x97: {  	s0 =	rddreg [dreg:$0x0];
	s2 =	stileid.u32  }
0x98: {  	s1 =	rddreg [dreg:$0x1];
	p0 =	sne.s32 s2, $0x0  }
0x99: {  	s3 =	rddreg [dreg:$0x2];
	[bflag:$0x3] =	sbarrier.arrive $0xFFFF;
	s2 =	simm.s32 @!p0 $0x1C03  }
0x9a: {  	[timem:s3], [sflag:s2] =	dma.local @!p0 [hbm:s0], s1  }
0x9b: {  	s0 =	simm.s32 @!p0 $0x3  }
0x9c: {  	_ =	swait.ge @!p0 [sflag:s0], s1  }
0x9d: {  	s1 =	ssub.s32 @!p0 $0x0, s1;
	[sflag:s0] =	ssyncset.done @!p0 $0x0  }
0x9e: {  	[sflag:s0] =	ssyncadd.s32 @!p0 s1  }
0x9f: {  	[bflag:$0x3] =	sbarrier.arrive $0xFFFF  }
0xa0: {  	_ =	shalt  }

</sc_bundles>
